<compile_context>
chip_gen: v7x
topology: tpu7x:2x2x1
jax: 0.10.2.dev20260603
libtpu: 0.0.44.dev20260713+nightly
codegen_flags: <defaults>
</compile_context>

<pallas_src>
import dataclasses
import functools

import jax
import jax.numpy as jnp
from jax import lax
from jax.experimental import pallas as pl
from jax.experimental.pallas import tpu as pltpu
from jax.experimental.pallas import tpu_sc as plsc

N = 10000
E = 320000
D = 128
NC = 2
NS = 16
NW = NC * NS
EPW = E // NW
CHUNK = 40
NCH = EPW // CHUNK
SR = CHUNK
NSTR = N // SR
SPS = (NSTR + NS - 1) // NS
L = 16

_sc_params = pltpu.CompilerParams()
if "needs_layout_passes" in pltpu.CompilerParams.__dataclass_fields__:
    _sc_params = dataclasses.replace(_sc_params, needs_layout_passes=False)


def _sc_segsum(h, edges_rs):

    @functools.partial(
        pl.kernel,
        out_type=(
            jax.ShapeDtypeStruct((NC, N, D), jnp.float32),
            jax.ShapeDtypeStruct((NW, N), jnp.float32),
        ),
        mesh=plsc.VectorSubcoreMesh(core_axis_name="c", subcore_axis_name="s"),
        scratch_types=[
            pltpu.VMEM((EPW,), jnp.int32),
            pltpu.VMEM((EPW,), jnp.int32),
            pltpu.VMEM((CHUNK, D), jnp.float32),
            pltpu.VMEM((CHUNK, D), jnp.float32),
            pltpu.VMEM((CHUNK, D), jnp.float32),
            pltpu.VMEM((CHUNK, D), jnp.float32),
            pltpu.VMEM((N,), jnp.float32),
            pltpu.VMEM_SHARED((N, D), jnp.float32),
            pltpu.SemaphoreType.DMA,
            pltpu.SemaphoreType.DMA,
            pltpu.SemaphoreType.DMA,
            pltpu.SemaphoreType.DMA,
            pltpu.SemaphoreType.DMA,
        ],
        compiler_params=_sc_params,
    )
    def k(h_hbm, edges_hbm, rows_out, cnt_out, src_v, dst_v, rowsA, rowsB,
          rowsC, rowsD, cnt_v, acc_sh, gsA, gsB, gsC, gsD, ss):
        cid = lax.axis_index("c")
        sid = lax.axis_index("s")
        wid = cid * NS + sid

        pltpu.sync_copy(edges_hbm.at[0, wid], src_v)
        pltpu.sync_copy(edges_hbm.at[1, wid], dst_v)

        @pl.loop(0, N // L)
        def _(i):
            cnt_v[pl.ds(i * L, L)] = jnp.zeros((L,), jnp.float32)

        @pl.loop(0, SR)
        def _(r):
            for j in range(D // L):
                rowsA[r, pl.ds(j * L, L)] = jnp.zeros((L,), jnp.float32)

        @pl.loop(0, SPS)
        def _(b):
            c = sid + b * NS

            @pl.when(c < NSTR)
            def _():
                pltpu.sync_copy(rowsA, acc_sh.at[pl.ds(c * SR, SR)])

        plsc.subcore_barrier()

        def count(e0, ngroups):
            for kk in range(ngroups):
                idx = dst_v[pl.ds(e0 + kk * L, L)]
                run, last = plsc.scan_count(idx)
                cur = plsc.load_gather(cnt_v, [idx])
                plsc.store_scatter(cnt_v, [idx],
                                   cur + run.astype(jnp.float32), mask=last)

        def src_at(t):
            return src_v.at[pl.ds(t * CHUNK, CHUNK)]

        def dst_at(t):
            return dst_v.at[pl.ds(t * CHUNK, CHUNK)]

        def gather(t, buf, sem):
            pltpu.async_copy(h_hbm.at[src_at(t)], buf, sem)

        def gwait(buf, sem):
            pltpu.make_async_copy(h_hbm.at[src_at(0)], buf, sem).wait()

        def scatter(t, buf, sem):
            pltpu.async_copy(buf, acc_sh.at[dst_at(t)], sem, add=True)

        def swait(buf, sem):
            pltpu.make_async_copy(buf, acc_sh.at[dst_at(0)], sem).wait()

        bufs = (rowsA, rowsB, rowsC, rowsD)
        gsems = (gsA, gsB, gsC, gsD)

        def step(t, b):
            gwait(bufs[b], gsems[b])
            scatter(t, bufs[b], ss)
            swait(bufs[b], ss)

        for b in range(3):
            gather(b, bufs[b], gsems[b])

        @pl.loop(0, NCH // 4)
        def _(i):
            t = 4 * i
            e0 = i * (4 * CHUNK)
            count(e0, 3)
            step(t, 0)
            gather(t + 3, rowsD, gsD)
            count(e0 + 48, 3)
            step(t + 1, 1)
            gather(t + 4, rowsA, gsA)
            count(e0 + 96, 2)
            step(t + 2, 2)
            gather(t + 5, rowsB, gsB)
            count(e0 + 128, 2)
            step(t + 3, 3)

            @pl.when(t + 6 < NCH)
            def _():
                gather(t + 6, rowsC, gsC)

        count((NCH - 2) * CHUNK, 2 * CHUNK // L)
        step(NCH - 2, 0)
        step(NCH - 1, 1)

        plsc.subcore_barrier()

        pltpu.sync_copy(cnt_v, cnt_out.at[wid])

        @pl.loop(0, SPS)
        def _(b):
            c = sid + b * NS

            @pl.when(c < NSTR)
            def _():
                pltpu.sync_copy(
                    acc_sh.at[pl.ds(c * SR, SR)],
                    rows_out.at[cid, pl.ds(c * SR, SR)],
                )

    return k(h, edges_rs)


def _tc_body(h_ref, x_ref, cell_ref, acc_ref, cnt_ref, wh_ref, wx_ref, wm_ref,
             b_ref, g_ref, be_ref, ones_ref, hn_ref, cn_ref):
    s = acc_ref[0] + acc_ref[1]
    cnt = jnp.dot(cnt_ref[...], ones_ref[...],
                  preferred_element_type=jnp.float32)
    mean = s / jnp.maximum(cnt, 1.0)
    pre = (
        jnp.dot(h_ref[...], wh_ref[...], preferred_element_type=jnp.float32)
        + jnp.dot(x_ref[...], wx_ref[...], preferred_element_type=jnp.float32)
        + jnp.dot(mean, wm_ref[...], preferred_element_type=jnp.float32)
        + b_ref[...]
    )
    f = jax.nn.sigmoid(pre[:, 0 * D:1 * D])
    i = jax.nn.sigmoid(pre[:, 1 * D:2 * D])
    ct = jnp.tanh(pre[:, 2 * D:3 * D])
    o = jax.nn.sigmoid(pre[:, 3 * D:4 * D])
    cn = f * cell_ref[...] + i * ct
    hn = o * jnp.tanh(cn)
    mu = jnp.mean(hn, axis=1, keepdims=True)
    dlt = hn - mu
    var = jnp.mean(dlt * dlt, axis=1, keepdims=True)
    hn_ref[...] = dlt * lax.rsqrt(var + 1e-5) * g_ref[...] + be_ref[...]
    cn_ref[...] = cn


def _tc_fused(h, x, cell, acc, cnt_t, Wh, Wx, Wm, bias, ln_g, ln_b):
    R = 2000
    row_spec = pl.BlockSpec((R, D), lambda i: (i, 0))
    full = lambda shape: pl.BlockSpec(shape, lambda i: tuple(0 for _ in shape))
    return pl.pallas_call(
        _tc_body,
        grid=(N // R,),
        in_specs=[
            row_spec, row_spec, row_spec,
            pl.BlockSpec((NC, R, D), lambda i: (0, i, 0)),
            pl.BlockSpec((R, NW), lambda i: (i, 0)),
            full((D, 4 * D)), full((D, 4 * D)), full((D, 4 * D)),
            full((1, 4 * D)), full((1, D)), full((1, D)),
            full((NW, 1)),
        ],
        out_specs=[row_spec, row_spec],
        out_shape=[
            jax.ShapeDtypeStruct((N, D), jnp.float32),
            jax.ShapeDtypeStruct((N, D), jnp.float32),
        ],
    )(h, x, cell, acc, cnt_t, Wh, Wx, Wm, bias, ln_g, ln_b,
      jnp.ones((NW, 1), jnp.float32))


def kernel(h, cell, x, edge_index, Wl_f, bl_f, Wr_f, Wg_f, bg_f, Wl_i, bl_i,
           Wr_i, Wg_i, bg_i, Wl_c, bl_c, Wr_c, Wg_c, bg_c, Wl_o, bl_o, Wr_o,
           Wg_o, bg_o, ln_g, ln_b):
    Wgs = [Wg_f, Wg_i, Wg_c, Wg_o]
    Wrs = [Wr_f, Wr_i, Wr_c, Wr_o]
    Wls = [Wl_f, Wl_i, Wl_c, Wl_o]
    bgs = [bg_f, bg_i, bg_c, bg_o]
    bls = [bl_f, bl_i, bl_c, bl_o]
    Wh = jnp.concatenate([(Wg[:, :D] + Wr).T for Wg, Wr in zip(Wgs, Wrs)], axis=1)
    Wx = jnp.concatenate([Wg[:, D:].T for Wg in Wgs], axis=1)
    Wm = jnp.concatenate([Wl.T for Wl in Wls], axis=1)
    bias = jnp.concatenate([bg + bl for bg, bl in zip(bgs, bls)])[None, :]

    edges_rs = edge_index.reshape(2, NW, EPW)

    acc, cnt = _sc_segsum(h, edges_rs)
    h_new, cell_new = _tc_fused(
        h, x, cell, acc, cnt.T, Wh, Wx, Wm, bias, ln_g[None, :], ln_b[None, :]
    )
    return (h_new, cell_new)

# --- scband reference (transcript-rebuilt; emitter-appended) ---
"""Pipeline reference for scband-lstmgraph-block-64476049047622 (READ-ONLY COPY).

The authoritative reference and input builder live on the scoring server;
editing this copy changes nothing except your own understanding.
"""

import jax, jax.numpy as jnp
import numpy as np

N = 10000
E = 320000
D = 128

def setup_inputs(seed: int = 0):
    key = jax.random.key(seed)
    ks = jax.random.split(key, 32)
    inp = {}
    inp["h"] = jax.random.normal(ks[0], (N, D), dtype=jnp.float32)
    inp["cell"] = jax.random.normal(ks[1], (N, D), dtype=jnp.float32)
    inp["x"] = jax.random.normal(ks[2], (N, D), dtype=jnp.float32)
    inp["edge_index"] = jax.random.randint(ks[3], (2, E), 0, N, dtype=jnp.int32)
    i = 4
    for g in ["f", "i", "c", "o"]:
        inp["Wl_" + g] = jax.random.normal(ks[i], (D, D), dtype=jnp.float32) * 0.05; i += 1
        inp["bl_" + g] = jnp.zeros((D,), dtype=jnp.float32)
        inp["Wr_" + g] = jax.random.normal(ks[i], (D, D), dtype=jnp.float32) * 0.05; i += 1
        inp["Wg_" + g] = jax.random.normal(ks[i], (D, 2 * D), dtype=jnp.float32) * 0.05; i += 1
        inp["bg_" + g] = jnp.zeros((D,), dtype=jnp.float32)
    inp["ln_g"] = jnp.ones((D,), dtype=jnp.float32)
    inp["ln_b"] = jnp.zeros((D,), dtype=jnp.float32)
    return inp

def _sage(h, edge_index, Wl, bl, Wr):
    src = edge_index[0]
    dst = edge_index[1]
    msg = jnp.take(h, src, axis=0)
    summed = jax.ops.segment_sum(msg, dst, num_segments=N)
    cnt = jax.ops.segment_sum(jnp.ones((edge_index.shape[1],), dtype=h.dtype), dst, num_segments=N)
    mean = summed / jnp.maximum(cnt, 1.0)[:, None]
    return mean @ Wl.T + bl + h @ Wr.T

def _layernorm(y, g, b, eps=1e-5):
    mu = jnp.mean(y, axis=-1, keepdims=True)
    var = jnp.var(y, axis=-1, keepdims=True)
    return (y - mu) / jnp.sqrt(var + eps) * g + b

def reference(h, cell, x, edge_index, Wl_f, bl_f, Wr_f, Wg_f, bg_f, Wl_i, bl_i, Wr_i, Wg_i, bg_i, Wl_c, bl_c, Wr_c, Wg_c, bg_c, Wl_o, bl_o, Wr_o, Wg_o, bg_o, ln_g, ln_b):
    combined = jnp.concatenate([h, x], axis=-1)
    f = jax.nn.sigmoid(combined @ Wg_f.T + bg_f + _sage(h, edge_index, Wl_f, bl_f, Wr_f))
    i = jax.nn.sigmoid(combined @ Wg_i.T + bg_i + _sage(h, edge_index, Wl_i, bl_i, Wr_i))
    c_tilde = jnp.tanh(combined @ Wg_c.T + bg_c + _sage(h, edge_index, Wl_c, bl_c, Wr_c))
    cell_new = f * cell + i * c_tilde
    o = jax.nn.sigmoid(combined @ Wg_o.T + bg_o + _sage(h, edge_index, Wl_o, bl_o, Wr_o))
    h_new = o * jnp.tanh(cell_new)
    h_new = _layernorm(h_new, ln_g, ln_b)
    return (h_new, cell_new)

if __name__ == "__main__":
    import jax
    _d = setup_inputs()
    print(jax.jit(kernel)(*tuple(_d.values())))

</pallas_src>

<mosaic_0001>
#map = affine_map<(d0, d1) -> (0, 0)>
#map1 = affine_map<(d0, d1) -> (0, 0, 0)>
module attributes {stable_mosaic.version = 14 : i64} {
  func.func @k(%arg0: i32, %arg1: i32, %arg2: memref<10000x128xf32, #tpu.memory_space<hbm>>, %arg3: memref<2x32x10000xi32, #tpu.memory_space<hbm>>, %arg4: memref<2x10000x128xf32, #tpu.memory_space<hbm>>, %arg5: memref<32x10000xf32, #tpu.memory_space<hbm>>, %arg6: memref<10000xi32, #tpu.memory_space<vmem>>, %arg7: memref<10000xi32, #tpu.memory_space<vmem>>, %arg8: memref<40x128xf32, #tpu.memory_space<vmem>>, %arg9: memref<40x128xf32, #tpu.memory_space<vmem>>, %arg10: memref<40x128xf32, #tpu.memory_space<vmem>>, %arg11: memref<40x128xf32, #tpu.memory_space<vmem>>, %arg12: memref<10000xf32, #tpu.memory_space<vmem>>, %arg13: memref<10000x128xf32, #tpu.memory_space<vmem_shared>>, %arg14: memref<!tpu.dma_semaphore, #tpu.memory_space<semaphore_mem>>, %arg15: memref<!tpu.dma_semaphore, #tpu.memory_space<semaphore_mem>>, %arg16: memref<!tpu.dma_semaphore, #tpu.memory_space<semaphore_mem>>, %arg17: memref<!tpu.dma_semaphore, #tpu.memory_space<semaphore_mem>>, %arg18: memref<!tpu.dma_semaphore, #tpu.memory_space<semaphore_mem>>) attributes {dimension_semantics = [#tpu.dimension_semantics<core_parallel>, #tpu.dimension_semantics<subcore_parallel>], iteration_bounds = array<i64: 2, 16>, scalar_prefetch = 0 : i64, scratch_operands = 13 : i64, tpu.core_type = #tpu.core_type<sc_vector_subcore>, window_params = [{transform_indices = #map}, {transform_indices = #map1}, {transform_indices = #map1}, {transform_indices = #map}]} {
    %mul3A = arith.constant 16 : i32
    %mul3A_0 = arith.muli %arg0, %mul3A : i32
    %add3A = arith.addi %mul3A_0, %arg1 : i32
    %run_scoped3A = arith.constant 0 : i32
    "tpu.region"() ({
      %run_scoped3A_110 = tpu.sem_alloc : memref<!tpu.dma_semaphore, #tpu.memory_space<semaphore_mem>>
      %dma_start3A_111 = arith.constant 0 : i32
      %dma_start3A_112 = tpu.memref_slice %arg3[%run_scoped3A, %add3A, %dma_start3A_111] : memref<2x32x10000xi32, #tpu.memory_space<hbm>> -> memref<1x1x10000xi32, #tpu.memory_space<hbm>>
      %dma_start3A_113 = tpu.memref_squeeze %dma_start3A_112 : memref<1x1x10000xi32, #tpu.memory_space<hbm>> -> memref<10000xi32, #tpu.memory_space<hbm>>
      %dma_start3A_114 = arith.constant 0 : i32
      %dma_start3A_115 = tpu.memref_slice %arg3[%run_scoped3A, %add3A, %dma_start3A_114] : memref<2x32x10000xi32, #tpu.memory_space<hbm>> -> memref<1x1x10000xi32, #tpu.memory_space<hbm>>
      %dma_start3A_116 = tpu.memref_squeeze %dma_start3A_115 : memref<1x1x10000xi32, #tpu.memory_space<hbm>> -> memref<10000xi32, #tpu.memory_space<hbm>>
      tpu.enqueue_dma source(%dma_start3A_116 : memref<10000xi32, #tpu.memory_space<hbm>>) target(%arg6 : memref<10000xi32, #tpu.memory_space<vmem>>) target_semaphore(%run_scoped3A_110 : memref<!tpu.dma_semaphore, #tpu.memory_space<semaphore_mem>>)
      %dma_wait3A_117 = arith.constant 0 : i32
      %dma_wait3A_118 = tpu.memref_slice %arg3[%run_scoped3A, %add3A, %dma_wait3A_117] : memref<2x32x10000xi32, #tpu.memory_space<hbm>> -> memref<1x1x10000xi32, #tpu.memory_space<hbm>>
      %dma_wait3A_119 = tpu.memref_squeeze %dma_wait3A_118 : memref<1x1x10000xi32, #tpu.memory_space<hbm>> -> memref<10000xi32, #tpu.memory_space<hbm>>
      %dma_wait3A_120 = arith.constant 0 : i32
      %dma_wait3A_121 = tpu.memref_slice %arg3[%run_scoped3A, %add3A, %dma_wait3A_120] : memref<2x32x10000xi32, #tpu.memory_space<hbm>> -> memref<1x1x10000xi32, #tpu.memory_space<hbm>>
      %dma_wait3A_122 = tpu.memref_squeeze %dma_wait3A_121 : memref<1x1x10000xi32, #tpu.memory_space<hbm>> -> memref<10000xi32, #tpu.memory_space<hbm>>
      tpu.wait_dma2 semaphore(%run_scoped3A_110 : memref<!tpu.dma_semaphore, #tpu.memory_space<semaphore_mem>>) src(%dma_wait3A_122 : memref<10000xi32, #tpu.memory_space<hbm>>) dst(%arg6 : memref<10000xi32, #tpu.memory_space<vmem>>)
      tpu.yield
    }) : () -> ()
    %run_scoped3A_1 = arith.constant 1 : i32
    "tpu.region"() ({
      %run_scoped3A_110 = tpu.sem_alloc : memref<!tpu.dma_semaphore, #tpu.memory_space<semaphore_mem>>
      %dma_start3A_111 = arith.constant 0 : i32
      %dma_start3A_112 = tpu.memref_slice %arg3[%run_scoped3A_1, %add3A, %dma_start3A_111] : memref<2x32x10000xi32, #tpu.memory_space<hbm>> -> memref<1x1x10000xi32, #tpu.memory_space<hbm>>
      %dma_start3A_113 = tpu.memref_squeeze %dma_start3A_112 : memref<1x1x10000xi32, #tpu.memory_space<hbm>> -> memref<10000xi32, #tpu.memory_space<hbm>>
      %dma_start3A_114 = arith.constant 0 : i32
      %dma_start3A_115 = tpu.memref_slice %arg3[%run_scoped3A_1, %add3A, %dma_start3A_114] : memref<2x32x10000xi32, #tpu.memory_space<hbm>> -> memref<1x1x10000xi32, #tpu.memory_space<hbm>>
      %dma_start3A_116 = tpu.memref_squeeze %dma_start3A_115 : memref<1x1x10000xi32, #tpu.memory_space<hbm>> -> memref<10000xi32, #tpu.memory_space<hbm>>
      tpu.enqueue_dma source(%dma_start3A_116 : memref<10000xi32, #tpu.memory_space<hbm>>) target(%arg7 : memref<10000xi32, #tpu.memory_space<vmem>>) target_semaphore(%run_scoped3A_110 : memref<!tpu.dma_semaphore, #tpu.memory_space<semaphore_mem>>)
      %dma_wait3A_117 = arith.constant 0 : i32
      %dma_wait3A_118 = tpu.memref_slice %arg3[%run_scoped3A_1, %add3A, %dma_wait3A_117] : memref<2x32x10000xi32, #tpu.memory_space<hbm>> -> memref<1x1x10000xi32, #tpu.memory_space<hbm>>
      %dma_wait3A_119 = tpu.memref_squeeze %dma_wait3A_118 : memref<1x1x10000xi32, #tpu.memory_space<hbm>> -> memref<10000xi32, #tpu.memory_space<hbm>>
      %dma_wait3A_120 = arith.constant 0 : i32
      %dma_wait3A_121 = tpu.memref_slice %arg3[%run_scoped3A_1, %add3A, %dma_wait3A_120] : memref<2x32x10000xi32, #tpu.memory_space<hbm>> -> memref<1x1x10000xi32, #tpu.memory_space<hbm>>
      %dma_wait3A_122 = tpu.memref_squeeze %dma_wait3A_121 : memref<1x1x10000xi32, #tpu.memory_space<hbm>> -> memref<10000xi32, #tpu.memory_space<hbm>>
      tpu.wait_dma2 semaphore(%run_scoped3A_110 : memref<!tpu.dma_semaphore, #tpu.memory_space<semaphore_mem>>) src(%dma_wait3A_122 : memref<10000xi32, #tpu.memory_space<hbm>>) dst(%arg7 : memref<10000xi32, #tpu.memory_space<vmem>>)
      tpu.yield
    }) : () -> ()
    %scan3A = arith.constant 0 : i32
    %scan3A_2 = arith.constant 625 : i32
    %scan3A_3 = arith.addi %scan3A, %scan3A_2 : i32
    %scan3A_4 = arith.constant 1 : i32
    scf.for %scan3A_110 = %scan3A to %scan3A_3 step %scan3A_4  : i32 {
      %mul3A_111 = arith.constant 1 : i32
      %mul3A_112 = arith.muli %scan3A_110, %mul3A_111 : i32
      %add3A_113 = arith.constant 0 : i32
      %add3A_114 = arith.addi %add3A_113, %mul3A_112 : i32
      %broadcast_in_dim3A_115 = arith.constant 0.000000e+00 : f32
      %broadcast_in_dim3A_116 = vector.broadcast %broadcast_in_dim3A_115 : f32 to vector<16xf32>
      %mul3A_117 = arith.constant 16 : i32
      %mul3A_118 = arith.muli %add3A_114, %mul3A_117 : i32
      %swap3A = arith.index_cast %mul3A_118 : i32 to index
      %swap3A_119 = tpu.vector_load %arg12[%swap3A] {strides = array<i32>} : memref<10000xf32, #tpu.memory_space<vmem>>, vector<16xf32>,
      tpu.vector_store %arg12[%swap3A], %broadcast_in_dim3A_116 {strides = array<i32>} : memref<10000xf32, #tpu.memory_space<vmem>>, vector<16xf32>,
    }
    %scan3A_5 = arith.constant 625 : i32
    %scan3A_6 = arith.constant 0 : i32
    %scan3A_7 = arith.constant 40 : i32
    %scan3A_8 = arith.addi %scan3A_6, %scan3A_7 : i32
    %scan3A_9 = arith.constant 1 : i32
    scf.for %scan3A_110 = %scan3A_6 to %scan3A_8 step %scan3A_9  : i32 {
      %mul3A_111 = arith.constant 1 : i32
      %mul3A_112 = arith.muli %scan3A_110, %mul3A_111 : i32
      %add3A_113 = arith.constant 0 : i32
      %add3A_114 = arith.addi %add3A_113, %mul3A_112 : i32
      %broadcast_in_dim3A_115 = arith.constant 0.000000e+00 : f32
      %broadcast_in_dim3A_116 = vector.broadcast %broadcast_in_dim3A_115 : f32 to vector<16xf32>
      %swap3A = arith.index_cast %add3A_114 : i32 to index
      %swap3A_117 = arith.constant 0 : index
      %swap3A_118 = tpu.vector_load %arg8[%swap3A, %swap3A_117] {strides = array<i32>} : memref<40x128xf32, #tpu.memory_space<vmem>>, vector<16xf32>,
      tpu.vector_store %arg8[%swap3A, %swap3A_117], %broadcast_in_dim3A_116 {strides = array<i32>} : memref<40x128xf32, #tpu.memory_space<vmem>>, vector<16xf32>,
      %broadcast_in_dim3A_119 = arith.constant 0.000000e+00 : f32
      %broadcast_in_dim3A_120 = vector.broadcast %broadcast_in_dim3A_119 : f32 to vector<16xf32>
      %swap3A_121 = arith.index_cast %add3A_114 : i32 to index
      %swap3A_122 = arith.constant 16 : index
      %swap3A_123 = tpu.vector_load %arg8[%swap3A_121, %swap3A_122] {strides = array<i32>} : memref<40x128xf32, #tpu.memory_space<vmem>>, vector<16xf32>,
      tpu.vector_store %arg8[%swap3A_121, %swap3A_122], %broadcast_in_dim3A_120 {strides = array<i32>} : memref<40x128xf32, #tpu.memory_space<vmem>>, vector<16xf32>,
      %broadcast_in_dim3A_124 = arith.constant 0.000000e+00 : f32
      %broadcast_in_dim3A_125 = vector.broadcast %broadcast_in_dim3A_124 : f32 to vector<16xf32>
      %swap3A_126 = arith.index_cast %add3A_114 : i32 to index
      %swap3A_127 = arith.constant 32 : index
      %swap3A_128 = tpu.vector_load %arg8[%swap3A_126, %swap3A_127] {strides = array<i32>} : memref<40x128xf32, #tpu.memory_space<vmem>>, vector<16xf32>,
      tpu.vector_store %arg8[%swap3A_126, %swap3A_127], %broadcast_in_dim3A_125 {strides = array<i32>} : memref<40x128xf32, #tpu.memory_space<vmem>>, vector<16xf32>,
      %broadcast_in_dim3A_129 = arith.constant 0.000000e+00 : f32
      %broadcast_in_dim3A_130 = vector.broadcast %broadcast_in_dim3A_129 : f32 to vector<16xf32>
      %swap3A_131 = arith.index_cast %add3A_114 : i32 to index
      %swap3A_132 = arith.constant 48 : index
      %swap3A_133 = tpu.vector_load %arg8[%swap3A_131, %swap3A_132] {strides = array<i32>} : memref<40x128xf32, #tpu.memory_space<vmem>>, vector<16xf32>,
      tpu.vector_store %arg8[%swap3A_131, %swap3A_132], %broadcast_in_dim3A_130 {strides = array<i32>} : memref<40x128xf32, #tpu.memory_space<vmem>>, vector<16xf32>,
      %broadcast_in_dim3A_134 = arith.constant 0.000000e+00 : f32
      %broadcast_in_dim3A_135 = vector.broadcast %broadcast_in_dim3A_134 : f32 to vector<16xf32>
      %swap3A_136 = arith.index_cast %add3A_114 : i32 to index
      %swap3A_137 = arith.constant 64 : index
      %swap3A_138 = tpu.vector_load %arg8[%swap3A_136, %swap3A_137] {strides = array<i32>} : memref<40x128xf32, #tpu.memory_space<vmem>>, vector<16xf32>,
      tpu.vector_store %arg8[%swap3A_136, %swap3A_137], %broadcast_in_dim3A_135 {strides = array<i32>} : memref<40x128xf32, #tpu.memory_space<vmem>>, vector<16xf32>,
      %broadcast_in_dim3A_139 = arith.constant 0.000000e+00 : f32
      %broadcast_in_dim3A_140 = vector.broadcast %broadcast_in_dim3A_139 : f32 to vector<16xf32>
      %swap3A_141 = arith.index_cast %add3A_114 : i32 to index
      %swap3A_142 = arith.constant 80 : index
      %swap3A_143 = tpu.vector_load %arg8[%swap3A_141, %swap3A_142] {strides = array<i32>} : memref<40x128xf32, #tpu.memory_space<vmem>>, vector<16xf32>,
      tpu.vector_store %arg8[%swap3A_141, %swap3A_142], %broadcast_in_dim3A_140 {strides = array<i32>} : memref<40x128xf32, #tpu.memory_space<vmem>>, vector<16xf32>,
      %broadcast_in_dim3A_144 = arith.constant 0.000000e+00 : f32
      %broadcast_in_dim3A_145 = vector.broadcast %broadcast_in_dim3A_144 : f32 to vector<16xf32>
      %swap3A_146 = arith.index_cast %add3A_114 : i32 to index
      %swap3A_147 = arith.constant 96 : index
      %swap3A_148 = tpu.vector_load %arg8[%swap3A_146, %swap3A_147] {strides = array<i32>} : memref<40x128xf32, #tpu.memory_space<vmem>>, vector<16xf32>,
      tpu.vector_store %arg8[%swap3A_146, %swap3A_147], %broadcast_in_dim3A_145 {strides = array<i32>} : memref<40x128xf32, #tpu.memory_space<vmem>>, vector<16xf32>,
      %broadcast_in_dim3A_149 = arith.constant 0.000000e+00 : f32
      %broadcast_in_dim3A_150 = vector.broadcast %broadcast_in_dim3A_149 : f32 to vector<16xf32>
      %swap3A_151 = arith.index_cast %add3A_114 : i32 to index
      %swap3A_152 = arith.constant 112 : index
      %swap3A_153 = tpu.vector_load %arg8[%swap3A_151, %swap3A_152] {strides = array<i32>} : memref<40x128xf32, #tpu.memory_space<vmem>>, vector<16xf32>,
      tpu.vector_store %arg8[%swap3A_151, %swap3A_152], %broadcast_in_dim3A_150 {strides = array<i32>} : memref<40x128xf32, #tpu.memory_space<vmem>>, vector<16xf32>,
    }
    %scan3A_10 = arith.constant 40 : i32
    %scan3A_11 = arith.constant 0 : i32
    %scan3A_12 = arith.constant 16 : i32
    %scan3A_13 = arith.addi %scan3A_11, %scan3A_12 : i32
    %scan3A_14 = arith.constant 1 : i32
    scf.for %scan3A_110 = %scan3A_11 to %scan3A_13 step %scan3A_14  : i32 {
      %mul3A_111 = arith.constant 1 : i32
      %mul3A_112 = arith.muli %scan3A_110, %mul3A_111 : i32
      %add3A_113 = arith.constant 0 : i32
      %add3A_114 = arith.addi %add3A_113, %mul3A_112 : i32
      %mul3A_115 = arith.constant 16 : i32
      %mul3A_116 = arith.muli %add3A_114, %mul3A_115 : i32
      %add3A_117 = arith.addi %arg1, %mul3A_116 : i32
      %lt3A = arith.constant 250 : i32
      %lt3A_118 = arith.cmpi slt, %add3A_117, %lt3A : i32
      %convert_element_type3A_119 = arith.extui %lt3A_118 : i1 to i32
      %cond3A = arith.constant 0 : i32
      %cond3A_120 = arith.cmpi ne, %convert_element_type3A_119, %cond3A : i32
      scf.if %cond3A_120 {
        %mul3A_121 = arith.constant 40 : i32
        %mul3A_122 = arith.muli %add3A_117, %mul3A_121 : i32
        "tpu.region"() ({
          %run_scoped3A_123 = tpu.sem_alloc : memref<!tpu.dma_semaphore, #tpu.memory_space<semaphore_mem>>
          %dma_start3A_124 = arith.constant 0 : i32
          %dma_start3A_125 = tpu.memref_slice %arg13[%mul3A_122, %dma_start3A_124] : memref<10000x128xf32, #tpu.memory_space<vmem_shared>> -> memref<40x128xf32, #tpu.memory_space<vmem_shared>>
          %dma_start3A_126 = arith.constant 0 : i32
          %dma_start3A_127 = tpu.memref_slice %arg13[%mul3A_122, %dma_start3A_126] : memref<10000x128xf32, #tpu.memory_space<vmem_shared>> -> memref<40x128xf32, #tpu.memory_space<vmem_shared>>
          tpu.enqueue_dma source(%arg8 : memref<40x128xf32, #tpu.memory_space<vmem>>) target(%dma_start3A_127 : memref<40x128xf32, #tpu.memory_space<vmem_shared>>) target_semaphore(%run_scoped3A_123 : memref<!tpu.dma_semaphore, #tpu.memory_space<semaphore_mem>>)
          %dma_wait3A_128 = arith.constant 0 : i32
          %dma_wait3A_129 = tpu.memref_slice %arg13[%mul3A_122, %dma_wait3A_128] : memref<10000x128xf32, #tpu.memory_space<vmem_shared>> -> memref<40x128xf32, #tpu.memory_space<vmem_shared>>
          %dma_wait3A_130 = arith.constant 0 : i32
          %dma_wait3A_131 = tpu.memref_slice %arg13[%mul3A_122, %dma_wait3A_130] : memref<10000x128xf32, #tpu.memory_space<vmem_shared>> -> memref<40x128xf32, #tpu.memory_space<vmem_shared>>
          tpu.wait_dma2 semaphore(%run_scoped3A_123 : memref<!tpu.dma_semaphore, #tpu.memory_space<semaphore_mem>>) src(%arg8 : memref<40x128xf32, #tpu.memory_space<vmem>>) dst(%dma_wait3A_131 : memref<40x128xf32, #tpu.memory_space<vmem_shared>>)
          tpu.yield
        }) : () -> ()
      } else {
      }
    }
    %scan3A_15 = arith.constant 16 : i32
    %barrier3A = arith.constant 0 : index
    tpu.barrier barrier_id(%barrier3A)
    %dma_start3A = arith.constant 0 : i32
    %dma_start3A_16 = tpu.memref_slice %arg6[%dma_start3A] : memref<10000xi32, #tpu.memory_space<vmem>> -> memref<40xi32, #tpu.memory_space<vmem>>
    %dma_start3A_17 = arith.constant 0 : i32
    %dma_start3A_18 = arith.constant 0 : i32
    %dma_start3A_19 = tpu.memref_slice %arg2[%dma_start3A_17, %dma_start3A_18] : memref<10000x128xf32, #tpu.memory_space<hbm>> -> memref<10000x128xf32, #tpu.memory_space<hbm>>
    tpu.enqueue_indirect_dma source(%dma_start3A_19 : memref<10000x128xf32, #tpu.memory_space<hbm>>) target(%arg8 : memref<40x128xf32, #tpu.memory_space<vmem>>) offsets(%dma_start3A_16 : memref<40xi32, #tpu.memory_space<vmem>>) semaphore(%arg14 : memref<!tpu.dma_semaphore, #tpu.memory_space<semaphore_mem>>)
    %dma_start3A_20 = arith.constant 40 : i32
    %dma_start3A_21 = tpu.memref_slice %arg6[%dma_start3A_20] : memref<10000xi32, #tpu.memory_space<vmem>> -> memref<40xi32, #tpu.memory_space<vmem>>
    %dma_start3A_22 = arith.constant 0 : i32
    %dma_start3A_23 = arith.constant 0 : i32
    %dma_start3A_24 = tpu.memref_slice %arg2[%dma_start3A_22, %dma_start3A_23] : memref<10000x128xf32, #tpu.memory_space<hbm>> -> memref<10000x128xf32, #tpu.memory_space<hbm>>
    tpu.enqueue_indirect_dma source(%dma_start3A_24 : memref<10000x128xf32, #tpu.memory_space<hbm>>) target(%arg9 : memref<40x128xf32, #tpu.memory_space<vmem>>) offsets(%dma_start3A_21 : memref<40xi32, #tpu.memory_space<vmem>>) semaphore(%arg15 : memref<!tpu.dma_semaphore, #tpu.memory_space<semaphore_mem>>)
    %dma_start3A_25 = arith.constant 80 : i32
    %dma_start3A_26 = tpu.memref_slice %arg6[%dma_start3A_25] : memref<10000xi32, #tpu.memory_space<vmem>> -> memref<40xi32, #tpu.memory_space<vmem>>
    %dma_start3A_27 = arith.constant 0 : i32
    %dma_start3A_28 = arith.constant 0 : i32
    %dma_start3A_29 = tpu.memref_slice %arg2[%dma_start3A_27, %dma_start3A_28] : memref<10000x128xf32, #tpu.memory_space<hbm>> -> memref<10000x128xf32, #tpu.memory_space<hbm>>
    tpu.enqueue_indirect_dma source(%dma_start3A_29 : memref<10000x128xf32, #tpu.memory_space<hbm>>) target(%arg10 : memref<40x128xf32, #tpu.memory_space<vmem>>) offsets(%dma_start3A_26 : memref<40xi32, #tpu.memory_space<vmem>>) semaphore(%arg16 : memref<!tpu.dma_semaphore, #tpu.memory_space<semaphore_mem>>)
    %scan3A_30 = arith.constant 0 : i32
    %scan3A_31 = arith.constant 62 : i32
    %scan3A_32 = arith.addi %scan3A_30, %scan3A_31 : i32
    %scan3A_33 = arith.constant 1 : i32
    scf.for %scan3A_110 = %scan3A_30 to %scan3A_32 step %scan3A_33  : i32 {
      %mul3A_111 = arith.constant 1 : i32
      %mul3A_112 = arith.muli %scan3A_110, %mul3A_111 : i32
      %add3A_113 = arith.constant 0 : i32
      %add3A_114 = arith.addi %add3A_113, %mul3A_112 : i32
      %mul3A_115 = arith.constant 4 : i32
      %mul3A_116 = arith.muli %mul3A_115, %add3A_114 : i32
      %mul3A_117 = arith.constant 160 : i32
      %mul3A_118 = arith.muli %add3A_114, %mul3A_117 : i32
      %add3A_119 = arith.constant 0 : i32
      %add3A_120 = arith.addi %mul3A_118, %add3A_119 : i32
      %get3A_121 = arith.index_cast %add3A_120 : i32 to index
      %get3A_122 = tpu.vector_load %arg7[%get3A_121] {strides = array<i32>} : memref<10000xi32, #tpu.memory_space<vmem>>, vector<16xi32>,
      %broadcast_in_dim3A_123 = arith.constant true
      %broadcast_in_dim3A_124 = vector.broadcast %broadcast_in_dim3A_123 : i1 to vector<16xi1>
      %unique3A_125, %unique3A_126 = tpu.scan_count mask(%broadcast_in_dim3A_124 : vector<16xi1>) value(%get3A_122 : vector<16xi32>) : vector<16xi1>, vector<16xi32>
      %gather3A_127 = tpu.vector_load_idx %arg12[%get3A_122] : memref<10000xf32, #tpu.memory_space<vmem>>[vector<16xi32>], vector<16xf32>,
      %convert_element_type3A_128 = arith.sitofp %unique3A_126 : vector<16xi32> to vector<16xf32>
      %add3A_129 = arith.addf %gather3A_127, %convert_element_type3A_128 : vector<16xf32>
      tpu.vector_store_idx %arg12[%get3A_122], %add3A_129 masked %unique3A_125 : memref<10000xf32, #tpu.memory_space<vmem>>[vector<16xi32>], vector<16xf32>, vector<16xi1>
      %add3A_130 = arith.constant 16 : i32
      %add3A_131 = arith.addi %mul3A_118, %add3A_130 : i32
      %get3A_132 = arith.index_cast %add3A_131 : i32 to index
      %get3A_133 = tpu.vector_load %arg7[%get3A_132] {strides = array<i32>} : memref<10000xi32, #tpu.memory_space<vmem>>, vector<16xi32>,
      %broadcast_in_dim3A_134 = arith.constant true
      %broadcast_in_dim3A_135 = vector.broadcast %broadcast_in_dim3A_134 : i1 to vector<16xi1>
      %unique3A_136, %unique3A_137 = tpu.scan_count mask(%broadcast_in_dim3A_135 : vector<16xi1>) value(%get3A_133 : vector<16xi32>) : vector<16xi1>, vector<16xi32>
      %gather3A_138 = tpu.vector_load_idx %arg12[%get3A_133] : memref<10000xf32, #tpu.memory_space<vmem>>[vector<16xi32>], vector<16xf32>,
      %convert_element_type3A_139 = arith.sitofp %unique3A_137 : vector<16xi32> to vector<16xf32>
      %add3A_140 = arith.addf %gather3A_138, %convert_element_type3A_139 : vector<16xf32>
      tpu.vector_store_idx %arg12[%get3A_133], %add3A_140 masked %unique3A_136 : memref<10000xf32, #tpu.memory_space<vmem>>[vector<16xi32>], vector<16xf32>, vector<16xi1>
      %add3A_141 = arith.constant 32 : i32
      %add3A_142 = arith.addi %mul3A_118, %add3A_141 : i32
      %get3A_143 = arith.index_cast %add3A_142 : i32 to index
      %get3A_144 = tpu.vector_load %arg7[%get3A_143] {strides = array<i32>} : memref<10000xi32, #tpu.memory_space<vmem>>, vector<16xi32>,
      %broadcast_in_dim3A_145 = arith.constant true
      %broadcast_in_dim3A_146 = vector.broadcast %broadcast_in_dim3A_145 : i1 to vector<16xi1>
      %unique3A_147, %unique3A_148 = tpu.scan_count mask(%broadcast_in_dim3A_146 : vector<16xi1>) value(%get3A_144 : vector<16xi32>) : vector<16xi1>, vector<16xi32>
      %gather3A_149 = tpu.vector_load_idx %arg12[%get3A_144] : memref<10000xf32, #tpu.memory_space<vmem>>[vector<16xi32>], vector<16xf32>,
      %convert_element_type3A_150 = arith.sitofp %unique3A_148 : vector<16xi32> to vector<16xf32>
      %add3A_151 = arith.addf %gather3A_149, %convert_element_type3A_150 : vector<16xf32>
      tpu.vector_store_idx %arg12[%get3A_144], %add3A_151 masked %unique3A_147 : memref<10000xf32, #tpu.memory_space<vmem>>[vector<16xi32>], vector<16xf32>, vector<16xi1>
      %dma_wait3A_152 = arith.constant 0 : i32
      %dma_wait3A_153 = tpu.memref_slice %arg6[%dma_wait3A_152] : memref<10000xi32, #tpu.memory_space<vmem>> -> memref<40xi32, #tpu.memory_space<vmem>>
      %dma_wait3A_154 = arith.constant 0 : i32
      %dma_wait3A_155 = arith.constant 0 : i32
      %dma_wait3A_156 = tpu.memref_slice %arg2[%dma_wait3A_154, %dma_wait3A_155] : memref<10000x128xf32, #tpu.memory_space<hbm>> -> memref<10000x128xf32, #tpu.memory_space<hbm>>
      tpu.wait_indirect_dma semaphore(%arg14 : memref<!tpu.dma_semaphore, #tpu.memory_space<semaphore_mem>>) src(%dma_wait3A_156 : memref<10000x128xf32, #tpu.memory_space<hbm>>) dst(%arg8 : memref<40x128xf32, #tpu.memory_space<vmem>>)
      %mul3A_157 = arith.constant 40 : i32
      %mul3A_158 = arith.muli %mul3A_116, %mul3A_157 : i32
      %dma_start3A_159 = tpu.memref_slice %arg7[%mul3A_158] : memref<10000xi32, #tpu.memory_space<vmem>> -> memref<40xi32, #tpu.memory_space<vmem>>
      %dma_start3A_160 = arith.constant 0 : i32
      %dma_start3A_161 = arith.constant 0 : i32
      %dma_start3A_162 = tpu.memref_slice %arg13[%dma_start3A_160, %dma_start3A_161] : memref<10000x128xf32, #tpu.memory_space<vmem_shared>> -> memref<10000x128xf32, #tpu.memory_space<vmem_shared>>
      tpu.enqueue_indirect_dma source(%arg8 : memref<40x128xf32, #tpu.memory_space<vmem>>) target(%dma_start3A_162 : memref<10000x128xf32, #tpu.memory_space<vmem_shared>>) offsets(%dma_start3A_159 : memref<40xi32, #tpu.memory_space<vmem>>) semaphore(%arg18 : memref<!tpu.dma_semaphore, #tpu.memory_space<semaphore_mem>>) {add = true}
      %dma_wait3A_163 = arith.constant 0 : i32
      %dma_wait3A_164 = tpu.memref_slice %arg7[%dma_wait3A_163] : memref<10000xi32, #tpu.memory_space<vmem>> -> memref<40xi32, #tpu.memory_space<vmem>>
      %dma_wait3A_165 = arith.constant 0 : i32
      %dma_wait3A_166 = arith.constant 0 : i32
      %dma_wait3A_167 = tpu.memref_slice %arg13[%dma_wait3A_165, %dma_wait3A_166] : memref<10000x128xf32, #tpu.memory_space<vmem_shared>> -> memref<10000x128xf32, #tpu.memory_space<vmem_shared>>
      tpu.wait_indirect_dma semaphore(%arg18 : memref<!tpu.dma_semaphore, #tpu.memory_space<semaphore_mem>>) src(%arg8 : memref<40x128xf32, #tpu.memory_space<vmem>>) dst(%dma_wait3A_167 : memref<10000x128xf32, #tpu.memory_space<vmem_shared>>)
      %add3A_168 = arith.constant 3 : i32
      %add3A_169 = arith.addi %mul3A_116, %add3A_168 : i32
      %mul3A_170 = arith.constant 40 : i32
      %mul3A_171 = arith.muli %add3A_169, %mul3A_170 : i32
      %dma_start3A_172 = tpu.memref_slice %arg6[%mul3A_171] : memref<10000xi32, #tpu.memory_space<vmem>> -> memref<40xi32, #tpu.memory_space<vmem>>
      %dma_start3A_173 = arith.constant 0 : i32
      %dma_start3A_174 = arith.constant 0 : i32
      %dma_start3A_175 = tpu.memref_slice %arg2[%dma_start3A_173, %dma_start3A_174] : memref<10000x128xf32, #tpu.memory_space<hbm>> -> memref<10000x128xf32, #tpu.memory_space<hbm>>
      tpu.enqueue_indirect_dma source(%dma_start3A_175 : memref<10000x128xf32, #tpu.memory_space<hbm>>) target(%arg11 : memref<40x128xf32, #tpu.memory_space<vmem>>) offsets(%dma_start3A_172 : memref<40xi32, #tpu.memory_space<vmem>>) semaphore(%arg17 : memref<!tpu.dma_semaphore, #tpu.memory_space<semaphore_mem>>)
      %add3A_176 = arith.constant 48 : i32
      %add3A_177 = arith.addi %mul3A_118, %add3A_176 : i32
      %add3A_178 = arith.constant 0 : i32
      %add3A_179 = arith.addi %add3A_177, %add3A_178 : i32
      %get3A_180 = arith.index_cast %add3A_179 : i32 to index
      %get3A_181 = tpu.vector_load %arg7[%get3A_180] {strides = array<i32>} : memref<10000xi32, #tpu.memory_space<vmem>>, vector<16xi32>,
      %broadcast_in_dim3A_182 = arith.constant true
      %broadcast_in_dim3A_183 = vector.broadcast %broadcast_in_dim3A_182 : i1 to vector<16xi1>
      %unique3A_184, %unique3A_185 = tpu.scan_count mask(%broadcast_in_dim3A_183 : vector<16xi1>) value(%get3A_181 : vector<16xi32>) : vector<16xi1>, vector<16xi32>
      %gather3A_186 = tpu.vector_load_idx %arg12[%get3A_181] : memref<10000xf32, #tpu.memory_space<vmem>>[vector<16xi32>], vector<16xf32>,
      %convert_element_type3A_187 = arith.sitofp %unique3A_185 : vector<16xi32> to vector<16xf32>
      %add3A_188 = arith.addf %gather3A_186, %convert_element_type3A_187 : vector<16xf32>
      tpu.vector_store_idx %arg12[%get3A_181], %add3A_188 masked %unique3A_184 : memref<10000xf32, #tpu.memory_space<vmem>>[vector<16xi32>], vector<16xf32>, vector<16xi1>
      %add3A_189 = arith.constant 16 : i32
      %add3A_190 = arith.addi %add3A_177, %add3A_189 : i32
      %get3A_191 = arith.index_cast %add3A_190 : i32 to index
      %get3A_192 = tpu.vector_load %arg7[%get3A_191] {strides = array<i32>} : memref<10000xi32, #tpu.memory_space<vmem>>, vector<16xi32>,
      %broadcast_in_dim3A_193 = arith.constant true
      %broadcast_in_dim3A_194 = vector.broadcast %broadcast_in_dim3A_193 : i1 to vector<16xi1>
      %unique3A_195, %unique3A_196 = tpu.scan_count mask(%broadcast_in_dim3A_194 : vector<16xi1>) value(%get3A_192 : vector<16xi32>) : vector<16xi1>, vector<16xi32>
      %gather3A_197 = tpu.vector_load_idx %arg12[%get3A_192] : memref<10000xf32, #tpu.memory_space<vmem>>[vector<16xi32>], vector<16xf32>,
      %convert_element_type3A_198 = arith.sitofp %unique3A_196 : vector<16xi32> to vector<16xf32>
      %add3A_199 = arith.addf %gather3A_197, %convert_element_type3A_198 : vector<16xf32>
      tpu.vector_store_idx %arg12[%get3A_192], %add3A_199 masked %unique3A_195 : memref<10000xf32, #tpu.memory_space<vmem>>[vector<16xi32>], vector<16xf32>, vector<16xi1>
      %add3A_200 = arith.constant 32 : i32
      %add3A_201 = arith.addi %add3A_177, %add3A_200 : i32
      %get3A_202 = arith.index_cast %add3A_201 : i32 to index
      %get3A_203 = tpu.vector_load %arg7[%get3A_202] {strides = array<i32>} : memref<10000xi32, #tpu.memory_space<vmem>>, vector<16xi32>,
      %broadcast_in_dim3A_204 = arith.constant true
      %broadcast_in_dim3A_205 = vector.broadcast %broadcast_in_dim3A_204 : i1 to vector<16xi1>
      %unique3A_206, %unique3A_207 = tpu.scan_count mask(%broadcast_in_dim3A_205 : vector<16xi1>) value(%get3A_203 : vector<16xi32>) : vector<16xi1>, vector<16xi32>
      %gather3A_208 = tpu.vector_load_idx %arg12[%get3A_203] : memref<10000xf32, #tpu.memory_space<vmem>>[vector<16xi32>], vector<16xf32>,
      %convert_element_type3A_209 = arith.sitofp %unique3A_207 : vector<16xi32> to vector<16xf32>
      %add3A_210 = arith.addf %gather3A_208, %convert_element_type3A_209 : vector<16xf32>
      tpu.vector_store_idx %arg12[%get3A_203], %add3A_210 masked %unique3A_206 : memref<10000xf32, #tpu.memory_space<vmem>>[vector<16xi32>], vector<16xf32>, vector<16xi1>
      %add3A_211 = arith.constant 1 : i32
      %add3A_212 = arith.addi %mul3A_116, %add3A_211 : i32
      %dma_wait3A_213 = arith.constant 0 : i32
      %dma_wait3A_214 = tpu.memref_slice %arg6[%dma_wait3A_213] : memref<10000xi32, #tpu.memory_space<vmem>> -> memref<40xi32, #tpu.memory_space<vmem>>
      %dma_wait3A_215 = arith.constant 0 : i32
      %dma_wait3A_216 = arith.constant 0 : i32
      %dma_wait3A_217 = tpu.memref_slice %arg2[%dma_wait3A_215, %dma_wait3A_216] : memref<10000x128xf32, #tpu.memory_space<hbm>> -> memref<10000x128xf32, #tpu.memory_space<hbm>>
      tpu.wait_indirect_dma semaphore(%arg15 : memref<!tpu.dma_semaphore, #tpu.memory_space<semaphore_mem>>) src(%dma_wait3A_217 : memref<10000x128xf32, #tpu.memory_space<hbm>>) dst(%arg9 : memref<40x128xf32, #tpu.memory_space<vmem>>)
      %mul3A_218 = arith.constant 40 : i32
      %mul3A_219 = arith.muli %add3A_212, %mul3A_218 : i32
      %dma_start3A_220 = tpu.memref_slice %arg7[%mul3A_219] : memref<10000xi32, #tpu.memory_space<vmem>> -> memref<40xi32, #tpu.memory_space<vmem>>
      %dma_start3A_221 = arith.constant 0 : i32
      %dma_start3A_222 = arith.constant 0 : i32
      %dma_start3A_223 = tpu.memref_slice %arg13[%dma_start3A_221, %dma_start3A_222] : memref<10000x128xf32, #tpu.memory_space<vmem_shared>> -> memref<10000x128xf32, #tpu.memory_space<vmem_shared>>
      tpu.enqueue_indirect_dma source(%arg9 : memref<40x128xf32, #tpu.memory_space<vmem>>) target(%dma_start3A_223 : memref<10000x128xf32, #tpu.memory_space<vmem_shared>>) offsets(%dma_start3A_220 : memref<40xi32, #tpu.memory_space<vmem>>) semaphore(%arg18 : memref<!tpu.dma_semaphore, #tpu.memory_space<semaphore_mem>>) {add = true}
      %dma_wait3A_224 = arith.constant 0 : i32
      %dma_wait3A_225 = tpu.memref_slice %arg7[%dma_wait3A_224] : memref<10000xi32, #tpu.memory_space<vmem>> -> memref<40xi32, #tpu.memory_space<vmem>>
      %dma_wait3A_226 = arith.constant 0 : i32
      %dma_wait3A_227 = arith.constant 0 : i32
      %dma_wait3A_228 = tpu.memref_slice %arg13[%dma_wait3A_226, %dma_wait3A_227] : memref<10000x128xf32, #tpu.memory_space<vmem_shared>> -> memref<10000x128xf32, #tpu.memory_space<vmem_shared>>
      tpu.wait_indirect_dma semaphore(%arg18 : memref<!tpu.dma_semaphore, #tpu.memory_space<semaphore_mem>>) src(%arg9 : memref<40x128xf32, #tpu.memory_space<vmem>>) dst(%dma_wait3A_228 : memref<10000x128xf32, #tpu.memory_space<vmem_shared>>)
      %add3A_229 = arith.constant 4 : i32
      %add3A_230 = arith.addi %mul3A_116, %add3A_229 : i32
      %mul3A_231 = arith.constant 40 : i32
      %mul3A_232 = arith.muli %add3A_230, %mul3A_231 : i32
      %dma_start3A_233 = tpu.memref_slice %arg6[%mul3A_232] : memref<10000xi32, #tpu.memory_space<vmem>> -> memref<40xi32, #tpu.memory_space<vmem>>
      %dma_start3A_234 = arith.constant 0 : i32
      %dma_start3A_235 = arith.constant 0 : i32
      %dma_start3A_236 = tpu.memref_slice %arg2[%dma_start3A_234, %dma_start3A_235] : memref<10000x128xf32, #tpu.memory_space<hbm>> -> memref<10000x128xf32, #tpu.memory_space<hbm>>
      tpu.enqueue_indirect_dma source(%dma_start3A_236 : memref<10000x128xf32, #tpu.memory_space<hbm>>) target(%arg8 : memref<40x128xf32, #tpu.memory_space<vmem>>) offsets(%dma_start3A_233 : memref<40xi32, #tpu.memory_space<vmem>>) semaphore(%arg14 : memref<!tpu.dma_semaphore, #tpu.memory_space<semaphore_mem>>)
      %add3A_237 = arith.constant 96 : i32
      %add3A_238 = arith.addi %mul3A_118, %add3A_237 : i32
      %add3A_239 = arith.constant 0 : i32
      %add3A_240 = arith.addi %add3A_238, %add3A_239 : i32
      %get3A_241 = arith.index_cast %add3A_240 : i32 to index
      %get3A_242 = tpu.vector_load %arg7[%get3A_241] {strides = array<i32>} : memref<10000xi32, #tpu.memory_space<vmem>>, vector<16xi32>,
      %broadcast_in_dim3A_243 = arith.constant true
      %broadcast_in_dim3A_244 = vector.broadcast %broadcast_in_dim3A_243 : i1 to vector<16xi1>
      %unique3A_245, %unique3A_246 = tpu.scan_count mask(%broadcast_in_dim3A_244 : vector<16xi1>) value(%get3A_242 : vector<16xi32>) : vector<16xi1>, vector<16xi32>
      %gather3A_247 = tpu.vector_load_idx %arg12[%get3A_242] : memref<10000xf32, #tpu.memory_space<vmem>>[vector<16xi32>], vector<16xf32>,
      %convert_element_type3A_248 = arith.sitofp %unique3A_246 : vector<16xi32> to vector<16xf32>
      %add3A_249 = arith.addf %gather3A_247, %convert_element_type3A_248 : vector<16xf32>
      tpu.vector_store_idx %arg12[%get3A_242], %add3A_249 masked %unique3A_245 : memref<10000xf32, #tpu.memory_space<vmem>>[vector<16xi32>], vector<16xf32>, vector<16xi1>
      %add3A_250 = arith.constant 16 : i32
      %add3A_251 = arith.addi %add3A_238, %add3A_250 : i32
      %get3A_252 = arith.index_cast %add3A_251 : i32 to index
      %get3A_253 = tpu.vector_load %arg7[%get3A_252] {strides = array<i32>} : memref<10000xi32, #tpu.memory_space<vmem>>, vector<16xi32>,
      %broadcast_in_dim3A_254 = arith.constant true
      %broadcast_in_dim3A_255 = vector.broadcast %broadcast_in_dim3A_254 : i1 to vector<16xi1>
      %unique3A_256, %unique3A_257 = tpu.scan_count mask(%broadcast_in_dim3A_255 : vector<16xi1>) value(%get3A_253 : vector<16xi32>) : vector<16xi1>, vector<16xi32>
      %gather3A_258 = tpu.vector_load_idx %arg12[%get3A_253] : memref<10000xf32, #tpu.memory_space<vmem>>[vector<16xi32>], vector<16xf32>,
      %convert_element_type3A_259 = arith.sitofp %unique3A_257 : vector<16xi32> to vector<16xf32>
      %add3A_260 = arith.addf %gather3A_258, %convert_element_type3A_259 : vector<16xf32>
      tpu.vector_store_idx %arg12[%get3A_253], %add3A_260 masked %unique3A_256 : memref<10000xf32, #tpu.memory_space<vmem>>[vector<16xi32>], vector<16xf32>, vector<16xi1>
      %add3A_261 = arith.constant 2 : i32
      %add3A_262 = arith.addi %mul3A_116, %add3A_261 : i32
      %dma_wait3A_263 = arith.constant 0 : i32
      %dma_wait3A_264 = tpu.memref_slice %arg6[%dma_wait3A_263] : memref<10000xi32, #tpu.memory_space<vmem>> -> memref<40xi32, #tpu.memory_space<vmem>>
      %dma_wait3A_265 = arith.constant 0 : i32
      %dma_wait3A_266 = arith.constant 0 : i32
      %dma_wait3A_267 = tpu.memref_slice %arg2[%dma_wait3A_265, %dma_wait3A_266] : memref<10000x128xf32, #tpu.memory_space<hbm>> -> memref<10000x128xf32, #tpu.memory_space<hbm>>
      tpu.wait_indirect_dma semaphore(%arg16 : memref<!tpu.dma_semaphore, #tpu.memory_space<semaphore_mem>>) src(%dma_wait3A_267 : memref<10000x128xf32, #tpu.memory_space<hbm>>) dst(%arg10 : memref<40x128xf32, #tpu.memory_space<vmem>>)
      %mul3A_268 = arith.constant 40 : i32
      %mul3A_269 = arith.muli %add3A_262, %mul3A_268 : i32
      %dma_start3A_270 = tpu.memref_slice %arg7[%mul3A_269] : memref<10000xi32, #tpu.memory_space<vmem>> -> memref<40xi32, #tpu.memory_space<vmem>>
      %dma_start3A_271 = arith.constant 0 : i32
      %dma_start3A_272 = arith.constant 0 : i32
      %dma_start3A_273 = tpu.memref_slice %arg13[%dma_start3A_271, %dma_start3A_272] : memref<10000x128xf32, #tpu.memory_space<vmem_shared>> -> memref<10000x128xf32, #tpu.memory_space<vmem_shared>>
      tpu.enqueue_indirect_dma source(%arg10 : memref<40x128xf32, #tpu.memory_space<vmem>>) target(%dma_start3A_273 : memref<10000x128xf32, #tpu.memory_space<vmem_shared>>) offsets(%dma_start3A_270 : memref<40xi32, #tpu.memory_space<vmem>>) semaphore(%arg18 : memref<!tpu.dma_semaphore, #tpu.memory_space<semaphore_mem>>) {add = true}
      %dma_wait3A_274 = arith.constant 0 : i32
      %dma_wait3A_275 = tpu.memref_slice %arg7[%dma_wait3A_274] : memref<10000xi32, #tpu.memory_space<vmem>> -> memref<40xi32, #tpu.memory_space<vmem>>
      %dma_wait3A_276 = arith.constant 0 : i32
      %dma_wait3A_277 = arith.constant 0 : i32
      %dma_wait3A_278 = tpu.memref_slice %arg13[%dma_wait3A_276, %dma_wait3A_277] : memref<10000x128xf32, #tpu.memory_space<vmem_shared>> -> memref<10000x128xf32, #tpu.memory_space<vmem_shared>>
      tpu.wait_indirect_dma semaphore(%arg18 : memref<!tpu.dma_semaphore, #tpu.memory_space<semaphore_mem>>) src(%arg10 : memref<40x128xf32, #tpu.memory_space<vmem>>) dst(%dma_wait3A_278 : memref<10000x128xf32, #tpu.memory_space<vmem_shared>>)
      %add3A_279 = arith.constant 5 : i32
      %add3A_280 = arith.addi %mul3A_116, %add3A_279 : i32
      %mul3A_281 = arith.constant 40 : i32
      %mul3A_282 = arith.muli %add3A_280, %mul3A_281 : i32
      %dma_start3A_283 = tpu.memref_slice %arg6[%mul3A_282] : memref<10000xi32, #tpu.memory_space<vmem>> -> memref<40xi32, #tpu.memory_space<vmem>>
      %dma_start3A_284 = arith.constant 0 : i32
      %dma_start3A_285 = arith.constant 0 : i32
      %dma_start3A_286 = tpu.memref_slice %arg2[%dma_start3A_284, %dma_start3A_285] : memref<10000x128xf32, #tpu.memory_space<hbm>> -> memref<10000x128xf32, #tpu.memory_space<hbm>>
      tpu.enqueue_indirect_dma source(%dma_start3A_286 : memref<10000x128xf32, #tpu.memory_space<hbm>>) target(%arg9 : memref<40x128xf32, #tpu.memory_space<vmem>>) offsets(%dma_start3A_283 : memref<40xi32, #tpu.memory_space<vmem>>) semaphore(%arg15 : memref<!tpu.dma_semaphore, #tpu.memory_space<semaphore_mem>>)
      %add3A_287 = arith.constant 128 : i32
      %add3A_288 = arith.addi %mul3A_118, %add3A_287 : i32
      %add3A_289 = arith.constant 0 : i32
      %add3A_290 = arith.addi %add3A_288, %add3A_289 : i32
      %get3A_291 = arith.index_cast %add3A_290 : i32 to index
      %get3A_292 = tpu.vector_load %arg7[%get3A_291] {strides = array<i32>} : memref<10000xi32, #tpu.memory_space<vmem>>, vector<16xi32>,
      %broadcast_in_dim3A_293 = arith.constant true
      %broadcast_in_dim3A_294 = vector.broadcast %broadcast_in_dim3A_293 : i1 to vector<16xi1>
      %unique3A_295, %unique3A_296 = tpu.scan_count mask(%broadcast_in_dim3A_294 : vector<16xi1>) value(%get3A_292 : vector<16xi32>) : vector<16xi1>, vector<16xi32>
      %gather3A_297 = tpu.vector_load_idx %arg12[%get3A_292] : memref<10000xf32, #tpu.memory_space<vmem>>[vector<16xi32>], vector<16xf32>,
      %convert_element_type3A_298 = arith.sitofp %unique3A_296 : vector<16xi32> to vector<16xf32>
      %add3A_299 = arith.addf %gather3A_297, %convert_element_type3A_298 : vector<16xf32>
      tpu.vector_store_idx %arg12[%get3A_292], %add3A_299 masked %unique3A_295 : memref<10000xf32, #tpu.memory_space<vmem>>[vector<16xi32>], vector<16xf32>, vector<16xi1>
      %add3A_300 = arith.constant 16 : i32
      %add3A_301 = arith.addi %add3A_288, %add3A_300 : i32
      %get3A_302 = arith.index_cast %add3A_301 : i32 to index
      %get3A_303 = tpu.vector_load %arg7[%get3A_302] {strides = array<i32>} : memref<10000xi32, #tpu.memory_space<vmem>>, vector<16xi32>,
      %broadcast_in_dim3A_304 = arith.constant true
      %broadcast_in_dim3A_305 = vector.broadcast %broadcast_in_dim3A_304 : i1 to vector<16xi1>
      %unique3A_306, %unique3A_307 = tpu.scan_count mask(%broadcast_in_dim3A_305 : vector<16xi1>) value(%get3A_303 : vector<16xi32>) : vector<16xi1>, vector<16xi32>
      %gather3A_308 = tpu.vector_load_idx %arg12[%get3A_303] : memref<10000xf32, #tpu.memory_space<vmem>>[vector<16xi32>], vector<16xf32>,
      %convert_element_type3A_309 = arith.sitofp %unique3A_307 : vector<16xi32> to vector<16xf32>
      %add3A_310 = arith.addf %gather3A_308, %convert_element_type3A_309 : vector<16xf32>
      tpu.vector_store_idx %arg12[%get3A_303], %add3A_310 masked %unique3A_306 : memref<10000xf32, #tpu.memory_space<vmem>>[vector<16xi32>], vector<16xf32>, vector<16xi1>
      %add3A_311 = arith.constant 3 : i32
      %add3A_312 = arith.addi %mul3A_116, %add3A_311 : i32
      %dma_wait3A_313 = arith.constant 0 : i32
      %dma_wait3A_314 = tpu.memref_slice %arg6[%dma_wait3A_313] : memref<10000xi32, #tpu.memory_space<vmem>> -> memref<40xi32, #tpu.memory_space<vmem>>
      %dma_wait3A_315 = arith.constant 0 : i32
      %dma_wait3A_316 = arith.constant 0 : i32
      %dma_wait3A_317 = tpu.memref_slice %arg2[%dma_wait3A_315, %dma_wait3A_316] : memref<10000x128xf32, #tpu.memory_space<hbm>> -> memref<10000x128xf32, #tpu.memory_space<hbm>>
      tpu.wait_indirect_dma semaphore(%arg17 : memref<!tpu.dma_semaphore, #tpu.memory_space<semaphore_mem>>) src(%dma_wait3A_317 : memref<10000x128xf32, #tpu.memory_space<hbm>>) dst(%arg11 : memref<40x128xf32, #tpu.memory_space<vmem>>)
      %mul3A_318 = arith.constant 40 : i32
      %mul3A_319 = arith.muli %add3A_312, %mul3A_318 : i32
      %dma_start3A_320 = tpu.memref_slice %arg7[%mul3A_319] : memref<10000xi32, #tpu.memory_space<vmem>> -> memref<40xi32, #tpu.memory_space<vmem>>
      %dma_start3A_321 = arith.constant 0 : i32
      %dma_start3A_322 = arith.constant 0 : i32
      %dma_start3A_323 = tpu.memref_slice %arg13[%dma_start3A_321, %dma_start3A_322] : memref<10000x128xf32, #tpu.memory_space<vmem_shared>> -> memref<10000x128xf32, #tpu.memory_space<vmem_shared>>
      tpu.enqueue_indirect_dma source(%arg11 : memref<40x128xf32, #tpu.memory_space<vmem>>) target(%dma_start3A_323 : memref<10000x128xf32, #tpu.memory_space<vmem_shared>>) offsets(%dma_start3A_320 : memref<40xi32, #tpu.memory_space<vmem>>) semaphore(%arg18 : memref<!tpu.dma_semaphore, #tpu.memory_space<semaphore_mem>>) {add = true}
      %dma_wait3A_324 = arith.constant 0 : i32
      %dma_wait3A_325 = tpu.memref_slice %arg7[%dma_wait3A_324] : memref<10000xi32, #tpu.memory_space<vmem>> -> memref<40xi32, #tpu.memory_space<vmem>>
      %dma_wait3A_326 = arith.constant 0 : i32
      %dma_wait3A_327 = arith.constant 0 : i32
      %dma_wait3A_328 = tpu.memref_slice %arg13[%dma_wait3A_326, %dma_wait3A_327] : memref<10000x128xf32, #tpu.memory_space<vmem_shared>> -> memref<10000x128xf32, #tpu.memory_space<vmem_shared>>
      tpu.wait_indirect_dma semaphore(%arg18 : memref<!tpu.dma_semaphore, #tpu.memory_space<semaphore_mem>>) src(%arg11 : memref<40x128xf32, #tpu.memory_space<vmem>>) dst(%dma_wait3A_328 : memref<10000x128xf32, #tpu.memory_space<vmem_shared>>)
      %add3A_329 = arith.constant 6 : i32
      %add3A_330 = arith.addi %mul3A_116, %add3A_329 : i32
      %lt3A = arith.constant 250 : i32
      %lt3A_331 = arith.cmpi slt, %add3A_330, %lt3A : i32
      %convert_element_type3A_332 = arith.extui %lt3A_331 : i1 to i32
      %cond3A = arith.constant 0 : i32
      %cond3A_333 = arith.cmpi ne, %convert_element_type3A_332, %cond3A : i32
      scf.if %cond3A_333 {
        %add3A_334 = arith.constant 6 : i32
        %add3A_335 = arith.addi %mul3A_116, %add3A_334 : i32
        %mul3A_336 = arith.constant 40 : i32
        %mul3A_337 = arith.muli %add3A_335, %mul3A_336 : i32
        %dma_start3A_338 = tpu.memref_slice %arg6[%mul3A_337] : memref<10000xi32, #tpu.memory_space<vmem>> -> memref<40xi32, #tpu.memory_space<vmem>>
        %dma_start3A_339 = arith.constant 0 : i32
        %dma_start3A_340 = arith.constant 0 : i32
        %dma_start3A_341 = tpu.memref_slice %arg2[%dma_start3A_339, %dma_start3A_340] : memref<10000x128xf32, #tpu.memory_space<hbm>> -> memref<10000x128xf32, #tpu.memory_space<hbm>>
        tpu.enqueue_indirect_dma source(%dma_start3A_341 : memref<10000x128xf32, #tpu.memory_space<hbm>>) target(%arg10 : memref<40x128xf32, #tpu.memory_space<vmem>>) offsets(%dma_start3A_338 : memref<40xi32, #tpu.memory_space<vmem>>) semaphore(%arg16 : memref<!tpu.dma_semaphore, #tpu.memory_space<semaphore_mem>>)
      } else {
      }
    }
    %scan3A_34 = arith.constant 62 : i32
    %get3A = arith.constant 9920 : index
    %get3A_35 = tpu.vector_load %arg7[%get3A] {strides = array<i32>} : memref<10000xi32, #tpu.memory_space<vmem>>, vector<16xi32>,
    %broadcast_in_dim3A = arith.constant true
    %broadcast_in_dim3A_36 = vector.broadcast %broadcast_in_dim3A : i1 to vector<16xi1>
    %unique3A, %unique3A_37 = tpu.scan_count mask(%broadcast_in_dim3A_36 : vector<16xi1>) value(%get3A_35 : vector<16xi32>) : vector<16xi1>, vector<16xi32>
    %gather3A = tpu.vector_load_idx %arg12[%get3A_35] : memref<10000xf32, #tpu.memory_space<vmem>>[vector<16xi32>], vector<16xf32>,
    %convert_element_type3A = arith.sitofp %unique3A_37 : vector<16xi32> to vector<16xf32>
    %add3A_38 = arith.addf %gather3A, %convert_element_type3A : vector<16xf32>
    tpu.vector_store_idx %arg12[%get3A_35], %add3A_38 masked %unique3A : memref<10000xf32, #tpu.memory_space<vmem>>[vector<16xi32>], vector<16xf32>, vector<16xi1>
    %get3A_39 = arith.constant 9936 : index
    %get3A_40 = tpu.vector_load %arg7[%get3A_39] {strides = array<i32>} : memref<10000xi32, #tpu.memory_space<vmem>>, vector<16xi32>,
    %broadcast_in_dim3A_41 = arith.constant true
    %broadcast_in_dim3A_42 = vector.broadcast %broadcast_in_dim3A_41 : i1 to vector<16xi1>
    %unique3A_43, %unique3A_44 = tpu.scan_count mask(%broadcast_in_dim3A_42 : vector<16xi1>) value(%get3A_40 : vector<16xi32>) : vector<16xi1>, vector<16xi32>
    %gather3A_45 = tpu.vector_load_idx %arg12[%get3A_40] : memref<10000xf32, #tpu.memory_space<vmem>>[vector<16xi32>], vector<16xf32>,
    %convert_element_type3A_46 = arith.sitofp %unique3A_44 : vector<16xi32> to vector<16xf32>
    %add3A_47 = arith.addf %gather3A_45, %convert_element_type3A_46 : vector<16xf32>
    tpu.vector_store_idx %arg12[%get3A_40], %add3A_47 masked %unique3A_43 : memref<10000xf32, #tpu.memory_space<vmem>>[vector<16xi32>], vector<16xf32>, vector<16xi1>
    %get3A_48 = arith.constant 9952 : index
    %get3A_49 = tpu.vector_load %arg7[%get3A_48] {strides = array<i32>} : memref<10000xi32, #tpu.memory_space<vmem>>, vector<16xi32>,
    %broadcast_in_dim3A_50 = arith.constant true
    %broadcast_in_dim3A_51 = vector.broadcast %broadcast_in_dim3A_50 : i1 to vector<16xi1>
    %unique3A_52, %unique3A_53 = tpu.scan_count mask(%broadcast_in_dim3A_51 : vector<16xi1>) value(%get3A_49 : vector<16xi32>) : vector<16xi1>, vector<16xi32>
    %gather3A_54 = tpu.vector_load_idx %arg12[%get3A_49] : memref<10000xf32, #tpu.memory_space<vmem>>[vector<16xi32>], vector<16xf32>,
    %convert_element_type3A_55 = arith.sitofp %unique3A_53 : vector<16xi32> to vector<16xf32>
    %add3A_56 = arith.addf %gather3A_54, %convert_element_type3A_55 : vector<16xf32>
    tpu.vector_store_idx %arg12[%get3A_49], %add3A_56 masked %unique3A_52 : memref<10000xf32, #tpu.memory_space<vmem>>[vector<16xi32>], vector<16xf32>, vector<16xi1>
    %get3A_57 = arith.constant 9968 : index
    %get3A_58 = tpu.vector_load %arg7[%get3A_57] {strides = array<i32>} : memref<10000xi32, #tpu.memory_space<vmem>>, vector<16xi32>,
    %broadcast_in_dim3A_59 = arith.constant true
    %broadcast_in_dim3A_60 = vector.broadcast %broadcast_in_dim3A_59 : i1 to vector<16xi1>
    %unique3A_61, %unique3A_62 = tpu.scan_count mask(%broadcast_in_dim3A_60 : vector<16xi1>) value(%get3A_58 : vector<16xi32>) : vector<16xi1>, vector<16xi32>
    %gather3A_63 = tpu.vector_load_idx %arg12[%get3A_58] : memref<10000xf32, #tpu.memory_space<vmem>>[vector<16xi32>], vector<16xf32>,
    %convert_element_type3A_64 = arith.sitofp %unique3A_62 : vector<16xi32> to vector<16xf32>
    %add3A_65 = arith.addf %gather3A_63, %convert_element_type3A_64 : vector<16xf32>
    tpu.vector_store_idx %arg12[%get3A_58], %add3A_65 masked %unique3A_61 : memref<10000xf32, #tpu.memory_space<vmem>>[vector<16xi32>], vector<16xf32>, vector<16xi1>
    %get3A_66 = arith.constant 9984 : index
    %get3A_67 = tpu.vector_load %arg7[%get3A_66] {strides = array<i32>} : memref<10000xi32, #tpu.memory_space<vmem>>, vector<16xi32>,
    %broadcast_in_dim3A_68 = arith.constant true
    %broadcast_in_dim3A_69 = vector.broadcast %broadcast_in_dim3A_68 : i1 to vector<16xi1>
    %unique3A_70, %unique3A_71 = tpu.scan_count mask(%broadcast_in_dim3A_69 : vector<16xi1>) value(%get3A_67 : vector<16xi32>) : vector<16xi1>, vector<16xi32>
    %gather3A_72 = tpu.vector_load_idx %arg12[%get3A_67] : memref<10000xf32, #tpu.memory_space<vmem>>[vector<16xi32>], vector<16xf32>,
    %convert_element_type3A_73 = arith.sitofp %unique3A_71 : vector<16xi32> to vector<16xf32>
    %add3A_74 = arith.addf %gather3A_72, %convert_element_type3A_73 : vector<16xf32>
    tpu.vector_store_idx %arg12[%get3A_67], %add3A_74 masked %unique3A_70 : memref<10000xf32, #tpu.memory_space<vmem>>[vector<16xi32>], vector<16xf32>, vector<16xi1>
    %dma_wait3A = arith.constant 0 : i32
    %dma_wait3A_75 = tpu.memref_slice %arg6[%dma_wait3A] : memref<10000xi32, #tpu.memory_space<vmem>> -> memref<40xi32, #tpu.memory_space<vmem>>
    %dma_wait3A_76 = arith.constant 0 : i32
    %dma_wait3A_77 = arith.constant 0 : i32
    %dma_wait3A_78 = tpu.memref_slice %arg2[%dma_wait3A_76, %dma_wait3A_77] : memref<10000x128xf32, #tpu.memory_space<hbm>> -> memref<10000x128xf32, #tpu.memory_space<hbm>>
    tpu.wait_indirect_dma semaphore(%arg14 : memref<!tpu.dma_semaphore, #tpu.memory_space<semaphore_mem>>) src(%dma_wait3A_78 : memref<10000x128xf32, #tpu.memory_space<hbm>>) dst(%arg8 : memref<40x128xf32, #tpu.memory_space<vmem>>)
    %dma_start3A_79 = arith.constant 9920 : i32
    %dma_start3A_80 = tpu.memref_slice %arg7[%dma_start3A_79] : memref<10000xi32, #tpu.memory_space<vmem>> -> memref<40xi32, #tpu.memory_space<vmem>>
    %dma_start3A_81 = arith.constant 0 : i32
    %dma_start3A_82 = arith.constant 0 : i32
    %dma_start3A_83 = tpu.memref_slice %arg13[%dma_start3A_81, %dma_start3A_82] : memref<10000x128xf32, #tpu.memory_space<vmem_shared>> -> memref<10000x128xf32, #tpu.memory_space<vmem_shared>>
    tpu.enqueue_indirect_dma source(%arg8 : memref<40x128xf32, #tpu.memory_space<vmem>>) target(%dma_start3A_83 : memref<10000x128xf32, #tpu.memory_space<vmem_shared>>) offsets(%dma_start3A_80 : memref<40xi32, #tpu.memory_space<vmem>>) semaphore(%arg18 : memref<!tpu.dma_semaphore, #tpu.memory_space<semaphore_mem>>) {add = true}
    %dma_wait3A_84 = arith.constant 0 : i32
    %dma_wait3A_85 = tpu.memref_slice %arg7[%dma_wait3A_84] : memref<10000xi32, #tpu.memory_space<vmem>> -> memref<40xi32, #tpu.memory_space<vmem>>
    %dma_wait3A_86 = arith.constant 0 : i32
    %dma_wait3A_87 = arith.constant 0 : i32
    %dma_wait3A_88 = tpu.memref_slice %arg13[%dma_wait3A_86, %dma_wait3A_87] : memref<10000x128xf32, #tpu.memory_space<vmem_shared>> -> memref<10000x128xf32, #tpu.memory_space<vmem_shared>>
    tpu.wait_indirect_dma semaphore(%arg18 : memref<!tpu.dma_semaphore, #tpu.memory_space<semaphore_mem>>) src(%arg8 : memref<40x128xf32, #tpu.memory_space<vmem>>) dst(%dma_wait3A_88 : memref<10000x128xf32, #tpu.memory_space<vmem_shared>>)
    %dma_wait3A_89 = arith.constant 0 : i32
    %dma_wait3A_90 = tpu.memref_slice %arg6[%dma_wait3A_89] : memref<10000xi32, #tpu.memory_space<vmem>> -> memref<40xi32, #tpu.memory_space<vmem>>
    %dma_wait3A_91 = arith.constant 0 : i32
    %dma_wait3A_92 = arith.constant 0 : i32
    %dma_wait3A_93 = tpu.memref_slice %arg2[%dma_wait3A_91, %dma_wait3A_92] : memref<10000x128xf32, #tpu.memory_space<hbm>> -> memref<10000x128xf32, #tpu.memory_space<hbm>>
    tpu.wait_indirect_dma semaphore(%arg15 : memref<!tpu.dma_semaphore, #tpu.memory_space<semaphore_mem>>) src(%dma_wait3A_93 : memref<10000x128xf32, #tpu.memory_space<hbm>>) dst(%arg9 : memref<40x128xf32, #tpu.memory_space<vmem>>)
    %dma_start3A_94 = arith.constant 9960 : i32
    %dma_start3A_95 = tpu.memref_slice %arg7[%dma_start3A_94] : memref<10000xi32, #tpu.memory_space<vmem>> -> memref<40xi32, #tpu.memory_space<vmem>>
    %dma_start3A_96 = arith.constant 0 : i32
    %dma_start3A_97 = arith.constant 0 : i32
    %dma_start3A_98 = tpu.memref_slice %arg13[%dma_start3A_96, %dma_start3A_97] : memref<10000x128xf32, #tpu.memory_space<vmem_shared>> -> memref<10000x128xf32, #tpu.memory_space<vmem_shared>>
    tpu.enqueue_indirect_dma source(%arg9 : memref<40x128xf32, #tpu.memory_space<vmem>>) target(%dma_start3A_98 : memref<10000x128xf32, #tpu.memory_space<vmem_shared>>) offsets(%dma_start3A_95 : memref<40xi32, #tpu.memory_space<vmem>>) semaphore(%arg18 : memref<!tpu.dma_semaphore, #tpu.memory_space<semaphore_mem>>) {add = true}
    %dma_wait3A_99 = arith.constant 0 : i32
    %dma_wait3A_100 = tpu.memref_slice %arg7[%dma_wait3A_99] : memref<10000xi32, #tpu.memory_space<vmem>> -> memref<40xi32, #tpu.memory_space<vmem>>
    %dma_wait3A_101 = arith.constant 0 : i32
    %dma_wait3A_102 = arith.constant 0 : i32
    %dma_wait3A_103 = tpu.memref_slice %arg13[%dma_wait3A_101, %dma_wait3A_102] : memref<10000x128xf32, #tpu.memory_space<vmem_shared>> -> memref<10000x128xf32, #tpu.memory_space<vmem_shared>>
    tpu.wait_indirect_dma semaphore(%arg18 : memref<!tpu.dma_semaphore, #tpu.memory_space<semaphore_mem>>) src(%arg9 : memref<40x128xf32, #tpu.memory_space<vmem>>) dst(%dma_wait3A_103 : memref<10000x128xf32, #tpu.memory_space<vmem_shared>>)
    %barrier3A_104 = arith.constant 0 : index
    tpu.barrier barrier_id(%barrier3A_104)
    "tpu.region"() ({
      %run_scoped3A_110 = tpu.sem_alloc : memref<!tpu.dma_semaphore, #tpu.memory_space<semaphore_mem>>
      %dma_start3A_111 = arith.constant 0 : i32
      %dma_start3A_112 = tpu.memref_slice %arg5[%add3A, %dma_start3A_111] : memref<32x10000xf32, #tpu.memory_space<hbm>> -> memref<1x10000xf32, #tpu.memory_space<hbm>>
      %dma_start3A_113 = tpu.memref_squeeze %dma_start3A_112 : memref<1x10000xf32, #tpu.memory_space<hbm>> -> memref<10000xf32, #tpu.memory_space<hbm>>
      %dma_start3A_114 = arith.constant 0 : i32
      %dma_start3A_115 = tpu.memref_slice %arg5[%add3A, %dma_start3A_114] : memref<32x10000xf32, #tpu.memory_space<hbm>> -> memref<1x10000xf32, #tpu.memory_space<hbm>>
      %dma_start3A_116 = tpu.memref_squeeze %dma_start3A_115 : memref<1x10000xf32, #tpu.memory_space<hbm>> -> memref<10000xf32, #tpu.memory_space<hbm>>
      tpu.enqueue_dma source(%arg12 : memref<10000xf32, #tpu.memory_space<vmem>>) target(%dma_start3A_116 : memref<10000xf32, #tpu.memory_space<hbm>>) target_semaphore(%run_scoped3A_110 : memref<!tpu.dma_semaphore, #tpu.memory_space<semaphore_mem>>)
      %dma_wait3A_117 = arith.constant 0 : i32
      %dma_wait3A_118 = tpu.memref_slice %arg5[%add3A, %dma_wait3A_117] : memref<32x10000xf32, #tpu.memory_space<hbm>> -> memref<1x10000xf32, #tpu.memory_space<hbm>>
      %dma_wait3A_119 = tpu.memref_squeeze %dma_wait3A_118 : memref<1x10000xf32, #tpu.memory_space<hbm>> -> memref<10000xf32, #tpu.memory_space<hbm>>
      %dma_wait3A_120 = arith.constant 0 : i32
      %dma_wait3A_121 = tpu.memref_slice %arg5[%add3A, %dma_wait3A_120] : memref<32x10000xf32, #tpu.memory_space<hbm>> -> memref<1x10000xf32, #tpu.memory_space<hbm>>
      %dma_wait3A_122 = tpu.memref_squeeze %dma_wait3A_121 : memref<1x10000xf32, #tpu.memory_space<hbm>> -> memref<10000xf32, #tpu.memory_space<hbm>>
      tpu.wait_dma2 semaphore(%run_scoped3A_110 : memref<!tpu.dma_semaphore, #tpu.memory_space<semaphore_mem>>) src(%arg12 : memref<10000xf32, #tpu.memory_space<vmem>>) dst(%dma_wait3A_122 : memref<10000xf32, #tpu.memory_space<hbm>>)
      tpu.yield
    }) : () -> ()
    %scan3A_105 = arith.constant 0 : i32
    %scan3A_106 = arith.constant 16 : i32
    %scan3A_107 = arith.addi %scan3A_105, %scan3A_106 : i32
    %scan3A_108 = arith.constant 1 : i32
    scf.for %scan3A_110 = %scan3A_105 to %scan3A_107 step %scan3A_108  : i32 {
      %mul3A_111 = arith.constant 1 : i32
      %mul3A_112 = arith.muli %scan3A_110, %mul3A_111 : i32
      %add3A_113 = arith.constant 0 : i32
      %add3A_114 = arith.addi %add3A_113, %mul3A_112 : i32
      %mul3A_115 = arith.constant 16 : i32
      %mul3A_116 = arith.muli %add3A_114, %mul3A_115 : i32
      %add3A_117 = arith.addi %arg1, %mul3A_116 : i32
      %lt3A = arith.constant 250 : i32
      %lt3A_118 = arith.cmpi slt, %add3A_117, %lt3A : i32
      %convert_element_type3A_119 = arith.extui %lt3A_118 : i1 to i32
      %cond3A = arith.constant 0 : i32
      %cond3A_120 = arith.cmpi ne, %convert_element_type3A_119, %cond3A : i32
      scf.if %cond3A_120 {
        %mul3A_121 = arith.constant 40 : i32
        %mul3A_122 = arith.muli %add3A_117, %mul3A_121 : i32
        %mul3A_123 = arith.constant 40 : i32
        %mul3A_124 = arith.muli %add3A_117, %mul3A_123 : i32
        "tpu.region"() ({
          %run_scoped3A_125 = tpu.sem_alloc : memref<!tpu.dma_semaphore, #tpu.memory_space<semaphore_mem>>
          %dma_start3A_126 = arith.constant 0 : i32
          %dma_start3A_127 = tpu.memref_slice %arg4[%arg0, %mul3A_124, %dma_start3A_126] : memref<2x10000x128xf32, #tpu.memory_space<hbm>> -> memref<1x40x128xf32, #tpu.memory_space<hbm>>
          %dma_start3A_128 = tpu.memref_squeeze %dma_start3A_127 : memref<1x40x128xf32, #tpu.memory_space<hbm>> -> memref<40x128xf32, #tpu.memory_space<hbm>>
          %dma_start3A_129 = arith.constant 0 : i32
          %dma_start3A_130 = tpu.memref_slice %arg13[%mul3A_122, %dma_start3A_129] : memref<10000x128xf32, #tpu.memory_space<vmem_shared>> -> memref<40x128xf32, #tpu.memory_space<vmem_shared>>
          tpu.enqueue_dma source(%dma_start3A_130 : memref<40x128xf32, #tpu.memory_space<vmem_shared>>) target(%dma_start3A_128 : memref<40x128xf32, #tpu.memory_space<hbm>>) target_semaphore(%run_scoped3A_125 : memref<!tpu.dma_semaphore, #tpu.memory_space<semaphore_mem>>)
          %dma_wait3A_131 = arith.constant 0 : i32
          %dma_wait3A_132 = tpu.memref_slice %arg4[%arg0, %mul3A_124, %dma_wait3A_131] : memref<2x10000x128xf32, #tpu.memory_space<hbm>> -> memref<1x40x128xf32, #tpu.memory_space<hbm>>
          %dma_wait3A_133 = tpu.memref_squeeze %dma_wait3A_132 : memref<1x40x128xf32, #tpu.memory_space<hbm>> -> memref<40x128xf32, #tpu.memory_space<hbm>>
          %dma_wait3A_134 = arith.constant 0 : i32
          %dma_wait3A_135 = tpu.memref_slice %arg13[%mul3A_122, %dma_wait3A_134] : memref<10000x128xf32, #tpu.memory_space<vmem_shared>> -> memref<40x128xf32, #tpu.memory_space<vmem_shared>>
          tpu.wait_dma2 semaphore(%run_scoped3A_125 : memref<!tpu.dma_semaphore, #tpu.memory_space<semaphore_mem>>) src(%dma_wait3A_135 : memref<40x128xf32, #tpu.memory_space<vmem_shared>>) dst(%dma_wait3A_133 : memref<40x128xf32, #tpu.memory_space<hbm>>)
          tpu.yield
        }) : () -> ()
      } else {
      }
    }
    %scan3A_109 = arith.constant 16 : i32
    return
  }
}

module attributes {stable_mosaic.version = 14 : i64} {
  func.func @_tc_body(%arg0: i32, %arg1: memref<2000x128xf32, #tpu.memory_space<vmem>>, %arg2: memref<2000x128xf32, #tpu.memory_space<vmem>>, %arg3: memref<2000x128xf32, #tpu.memory_space<vmem>>, %arg4: memref<2x2000x128xf32, #tpu.memory_space<vmem>>, %arg5: memref<2000x32xf32, #tpu.memory_space<vmem>>, %arg6: memref<128x512xf32, #tpu.memory_space<vmem>>, %arg7: memref<128x512xf32, #tpu.memory_space<vmem>>, %arg8: memref<128x512xf32, #tpu.memory_space<vmem>>, %arg9: memref<1x512xf32, #tpu.memory_space<vmem>>, %arg10: memref<1x128xf32, #tpu.memory_space<vmem>>, %arg11: memref<1x128xf32, #tpu.memory_space<vmem>>, %arg12: memref<32x1xf32, #tpu.memory_space<vmem>>, %arg13: memref<2000x128xf32, #tpu.memory_space<vmem>>, %arg14: memref<2000x128xf32, #tpu.memory_space<vmem>>) attributes {dimension_semantics = [#tpu.dimension_semantics<arbitrary>], iteration_bounds = array<i64: 5>, scalar_prefetch = 0 : i64, scratch_operands = 0 : i64, tpu.core_type = #tpu.core_type<tc>, window_params = [{transform_indices = @transform_0, window_bounds = array<i64: 2000, 128>}, {transform_indices = @transform_1, window_bounds = array<i64: 2000, 128>}, {transform_indices = @transform_2, window_bounds = array<i64: 2000, 128>}, {transform_indices = @transform_3, window_bounds = array<i64: 2, 2000, 128>}, {transform_indices = @transform_4, window_bounds = array<i64: 2000, 32>}, {pipeline_mode = #tpu.pipeline_mode<synchronous>, transform_indices = @transform_5, window_bounds = array<i64: 128, 512>}, {pipeline_mode = #tpu.pipeline_mode<synchronous>, transform_indices = @transform_6, window_bounds = array<i64: 128, 512>}, {pipeline_mode = #tpu.pipeline_mode<synchronous>, transform_indices = @transform_7, window_bounds = array<i64: 128, 512>}, {pipeline_mode = #tpu.pipeline_mode<synchronous>, transform_indices = @transform_8, window_bounds = array<i64: 1, 512>}, {pipeline_mode = #tpu.pipeline_mode<synchronous>, transform_indices = @transform_9, window_bounds = array<i64: 1, 128>}, {pipeline_mode = #tpu.pipeline_mode<synchronous>, transform_indices = @transform_10, window_bounds = array<i64: 1, 128>}, {pipeline_mode = #tpu.pipeline_mode<synchronous>, transform_indices = @transform_11, window_bounds = array<i64: 32, 1>}, {transform_indices = @transform_12, window_bounds = array<i64: 2000, 128>}, {transform_indices = @transform_13, window_bounds = array<i64: 2000, 128>}]} {
    %get3A = arith.constant 0 : index
    %get3A_0 = arith.constant 0 : index
    %get3A_1 = arith.constant 0 : index
    %get3A_2 = vector.load %arg4[%get3A, %get3A_0, %get3A_1] : memref<2x2000x128xf32, #tpu.memory_space<vmem>>, vector<1x2000x128xf32>
    %get3A_3 = vector.shape_cast %get3A_2 : vector<1x2000x128xf32> to vector<2000x128xf32>
    %get3A_4 = arith.constant 1 : index
    %get3A_5 = arith.constant 0 : index
    %get3A_6 = arith.constant 0 : index
    %get3A_7 = vector.load %arg4[%get3A_4, %get3A_5, %get3A_6] : memref<2x2000x128xf32, #tpu.memory_space<vmem>>, vector<1x2000x128xf32>
    %get3A_8 = vector.shape_cast %get3A_7 : vector<1x2000x128xf32> to vector<2000x128xf32>
    %add3A = arith.addf %get3A_3, %get3A_8 : vector<2000x128xf32>
    %get3A_9 = arith.constant 0 : index
    %get3A_10 = arith.constant 0 : index
    %get3A_11 = vector.load %arg5[%get3A_9, %get3A_10] : memref<2000x32xf32, #tpu.memory_space<vmem>>, vector<2000x32xf32>
    %get3A_12 = arith.constant 0 : index
    %get3A_13 = arith.constant 0 : index
    %get3A_14 = vector.load %arg12[%get3A_12, %get3A_13] : memref<32x1xf32, #tpu.memory_space<vmem>>, vector<32x1xf32>
    %dot_general3A = arith.constant dense<0.000000e+00> : vector<2000x1xf32>
    %dot_general3A_15 = tpu.matmul %get3A_11, %get3A_14, %dot_general3A {dimension_numbers = #tpu.dot_dimension_numbers<[1], [0], [0], [1], [0, 0, 1, 1], [], []>, transpose_lhs_hint = false} : vector<2000x32xf32>, vector<32x1xf32>, vector<2000x1xf32> -> vector<2000x1xf32>
    %max3A = arith.constant 1.000000e+00 : f32
    %max3A_16 = vector.broadcast %max3A : f32 to vector<2000x1xf32>
    %max3A_17 = arith.maximumf %dot_general3A_15, %max3A_16 : vector<2000x1xf32>
    %div3A = vector.broadcast %max3A_17 : vector<2000x1xf32> to vector<2000x128xf32>
    %div3A_18 = arith.divf %add3A, %div3A : vector<2000x128xf32>
    %get3A_19 = arith.constant 0 : index
    %get3A_20 = arith.constant 0 : index
    %get3A_21 = vector.load %arg1[%get3A_19, %get3A_20] : memref<2000x128xf32, #tpu.memory_space<vmem>>, vector<2000x128xf32>
    %get3A_22 = arith.constant 0 : index
    %get3A_23 = arith.constant 0 : index
    %get3A_24 = vector.load %arg6[%get3A_22, %get3A_23] : memref<128x512xf32, #tpu.memory_space<vmem>>, vector<128x512xf32>
    %dot_general3A_25 = arith.constant dense<0.000000e+00> : vector<2000x512xf32>
    %dot_general3A_26 = tpu.matmul %get3A_21, %get3A_24, %dot_general3A_25 {dimension_numbers = #tpu.dot_dimension_numbers<[1], [0], [0], [1], [0, 0, 1, 1], [], []>, transpose_lhs_hint = false} : vector<2000x128xf32>, vector<128x512xf32>, vector<2000x512xf32> -> vector<2000x512xf32>
    %get3A_27 = arith.constant 0 : index
    %get3A_28 = arith.constant 0 : index
    %get3A_29 = vector.load %arg2[%get3A_27, %get3A_28] : memref<2000x128xf32, #tpu.memory_space<vmem>>, vector<2000x128xf32>
    %get3A_30 = arith.constant 0 : index
    %get3A_31 = arith.constant 0 : index
    %get3A_32 = vector.load %arg7[%get3A_30, %get3A_31] : memref<128x512xf32, #tpu.memory_space<vmem>>, vector<128x512xf32>
    %dot_general3A_33 = arith.constant dense<0.000000e+00> : vector<2000x512xf32>
    %dot_general3A_34 = tpu.matmul %get3A_29, %get3A_32, %dot_general3A_33 {dimension_numbers = #tpu.dot_dimension_numbers<[1], [0], [0], [1], [0, 0, 1, 1], [], []>, transpose_lhs_hint = false} : vector<2000x128xf32>, vector<128x512xf32>, vector<2000x512xf32> -> vector<2000x512xf32>
    %add3A_35 = arith.addf %dot_general3A_26, %dot_general3A_34 : vector<2000x512xf32>
    %get3A_36 = arith.constant 0 : index
    %get3A_37 = arith.constant 0 : index
    %get3A_38 = vector.load %arg8[%get3A_36, %get3A_37] : memref<128x512xf32, #tpu.memory_space<vmem>>, vector<128x512xf32>
    %dot_general3A_39 = arith.constant dense<0.000000e+00> : vector<2000x512xf32>
    %dot_general3A_40 = tpu.matmul %div3A_18, %get3A_38, %dot_general3A_39 {dimension_numbers = #tpu.dot_dimension_numbers<[1], [0], [0], [1], [0, 0, 1, 1], [], []>, transpose_lhs_hint = false} : vector<2000x128xf32>, vector<128x512xf32>, vector<2000x512xf32> -> vector<2000x512xf32>
    %add3A_41 = arith.addf %add3A_35, %dot_general3A_40 : vector<2000x512xf32>
    %get3A_42 = arith.constant 0 : index
    %get3A_43 = arith.constant 0 : index
    %get3A_44 = vector.load %arg9[%get3A_42, %get3A_43] : memref<1x512xf32, #tpu.memory_space<vmem>>, vector<1x512xf32>
    %add3A_45 = vector.broadcast %get3A_44 : vector<1x512xf32> to vector<2000x512xf32>
    %add3A_46 = arith.addf %add3A_41, %add3A_45 : vector<2000x512xf32>
    %slice3A = vector.extract_strided_slice %add3A_46 {offsets = [0, 0], sizes = [2000, 128], strides = [1, 1]} : vector<2000x512xf32> to vector<2000x128xf32>
    %logistic3A = arith.negf %slice3A : vector<2000x128xf32>
    %logistic3A_47 = math.exp %logistic3A : vector<2000x128xf32>
    %logistic3A_48 = arith.constant 1.000000e+00 : f32
    %logistic3A_49 = vector.broadcast %logistic3A_48 : f32 to vector<2000x128xf32>
    %logistic3A_50 = arith.addf %logistic3A_49, %logistic3A_47 : vector<2000x128xf32>
    %logistic3A_51 = arith.divf %logistic3A_49, %logistic3A_50 : vector<2000x128xf32>
    %slice3A_52 = vector.extract_strided_slice %add3A_46 {offsets = [0, 128], sizes = [2000, 128], strides = [1, 1]} : vector<2000x512xf32> to vector<2000x128xf32>
    %logistic3A_53 = arith.negf %slice3A_52 : vector<2000x128xf32>
    %logistic3A_54 = math.exp %logistic3A_53 : vector<2000x128xf32>
    %logistic3A_55 = arith.constant 1.000000e+00 : f32
    %logistic3A_56 = vector.broadcast %logistic3A_55 : f32 to vector<2000x128xf32>
    %logistic3A_57 = arith.addf %logistic3A_56, %logistic3A_54 : vector<2000x128xf32>
    %logistic3A_58 = arith.divf %logistic3A_56, %logistic3A_57 : vector<2000x128xf32>
    %slice3A_59 = vector.extract_strided_slice %add3A_46 {offsets = [0, 256], sizes = [2000, 128], strides = [1, 1]} : vector<2000x512xf32> to vector<2000x128xf32>
    %tanh3A = math.tanh %slice3A_59 : vector<2000x128xf32>
    %slice3A_60 = vector.extract_strided_slice %add3A_46 {offsets = [0, 384], sizes = [2000, 128], strides = [1, 1]} : vector<2000x512xf32> to vector<2000x128xf32>
    %logistic3A_61 = arith.negf %slice3A_60 : vector<2000x128xf32>
    %logistic3A_62 = math.exp %logistic3A_61 : vector<2000x128xf32>
    %logistic3A_63 = arith.constant 1.000000e+00 : f32
    %logistic3A_64 = vector.broadcast %logistic3A_63 : f32 to vector<2000x128xf32>
    %logistic3A_65 = arith.addf %logistic3A_64, %logistic3A_62 : vector<2000x128xf32>
    %logistic3A_66 = arith.divf %logistic3A_64, %logistic3A_65 : vector<2000x128xf32>
    %get3A_67 = arith.constant 0 : index
    %get3A_68 = arith.constant 0 : index
    %get3A_69 = vector.load %arg3[%get3A_67, %get3A_68] : memref<2000x128xf32, #tpu.memory_space<vmem>>, vector<2000x128xf32>
    %mul3A = arith.mulf %logistic3A_51, %get3A_69 : vector<2000x128xf32>
    %mul3A_70 = arith.mulf %logistic3A_58, %tanh3A : vector<2000x128xf32>
    %add3A_71 = arith.addf %mul3A, %mul3A_70 : vector<2000x128xf32>
    %tanh3A_72 = math.tanh %add3A_71 : vector<2000x128xf32>
    %mul3A_73 = arith.mulf %logistic3A_66, %tanh3A_72 : vector<2000x128xf32>
    %reduce_sum3A = arith.constant dense<0.000000e+00> : vector<2000xf32>
    %reduce_sum3A_74 = vector.multi_reduction <add>, %mul3A_73, %reduce_sum3A [1] : vector<2000x128xf32> to vector<2000xf32>
    %broadcast_in_dim3A = vector.shape_cast %reduce_sum3A_74 : vector<2000xf32> to vector<2000x1xf32>
    %div3A_75 = arith.constant 1.280000e+02 : f32
    %div3A_76 = vector.broadcast %div3A_75 : f32 to vector<2000x1xf32>
    %div3A_77 = arith.divf %broadcast_in_dim3A, %div3A_76 : vector<2000x1xf32>
    %sub3A = vector.broadcast %div3A_77 : vector<2000x1xf32> to vector<2000x128xf32>
    %sub3A_78 = arith.subf %mul3A_73, %sub3A : vector<2000x128xf32>
    %mul3A_79 = arith.mulf %sub3A_78, %sub3A_78 : vector<2000x128xf32>
    %reduce_sum3A_80 = arith.constant dense<0.000000e+00> : vector<2000xf32>
    %reduce_sum3A_81 = vector.multi_reduction <add>, %mul3A_79, %reduce_sum3A_80 [1] : vector<2000x128xf32> to vector<2000xf32>
    %broadcast_in_dim3A_82 = vector.shape_cast %reduce_sum3A_81 : vector<2000xf32> to vector<2000x1xf32>
    %div3A_83 = arith.constant 1.280000e+02 : f32
    %div3A_84 = vector.broadcast %div3A_83 : f32 to vector<2000x1xf32>
    %div3A_85 = arith.divf %broadcast_in_dim3A_82, %div3A_84 : vector<2000x1xf32>
    %add3A_86 = arith.constant 9.99999974E-6 : f32
    %add3A_87 = vector.broadcast %add3A_86 : f32 to vector<2000x1xf32>
    %add3A_88 = arith.addf %div3A_85, %add3A_87 : vector<2000x1xf32>
    %rsqrt3A = math.rsqrt %add3A_88 : vector<2000x1xf32>
    %mul3A_89 = vector.broadcast %rsqrt3A : vector<2000x1xf32> to vector<2000x128xf32>
    %mul3A_90 = arith.mulf %sub3A_78, %mul3A_89 : vector<2000x128xf32>
    %get3A_91 = arith.constant 0 : index
    %get3A_92 = arith.constant 0 : index
    %get3A_93 = vector.load %arg10[%get3A_91, %get3A_92] : memref<1x128xf32, #tpu.memory_space<vmem>>, vector<1x128xf32>
    %mul3A_94 = vector.broadcast %get3A_93 : vector<1x128xf32> to vector<2000x128xf32>
    %mul3A_95 = arith.mulf %mul3A_90, %mul3A_94 : vector<2000x128xf32>
    %get3A_96 = arith.constant 0 : index
    %get3A_97 = arith.constant 0 : index
    %get3A_98 = vector.load %arg11[%get3A_96, %get3A_97] : memref<1x128xf32, #tpu.memory_space<vmem>>, vector<1x128xf32>
    %add3A_99 = vector.broadcast %get3A_98 : vector<1x128xf32> to vector<2000x128xf32>
    %add3A_100 = arith.addf %mul3A_95, %add3A_99 : vector<2000x128xf32>
    %swap3A = arith.constant 0 : index
    %swap3A_101 = arith.constant 0 : index
    %swap3A_102 = vector.load %arg13[%swap3A, %swap3A_101] : memref<2000x128xf32, #tpu.memory_space<vmem>>, vector<2000x128xf32>
    tpu.vector_store %arg13[%swap3A, %swap3A_101], %add3A_100 {strides = array<i32>} : memref<2000x128xf32, #tpu.memory_space<vmem>>, vector<2000x128xf32>,
    %swap3A_103 = arith.constant 0 : index
    %swap3A_104 = arith.constant 0 : index
    %swap3A_105 = vector.load %arg14[%swap3A_103, %swap3A_104] : memref<2000x128xf32, #tpu.memory_space<vmem>>, vector<2000x128xf32>
    tpu.vector_store %arg14[%swap3A_103, %swap3A_104], %add3A_71 {strides = array<i32>} : memref<2000x128xf32, #tpu.memory_space<vmem>>, vector<2000x128xf32>,
    return
  }
  func.func @transform_0(%arg0: i32) -> (i32, i32) {
    %c0_i32 = arith.constant 0 : i32
    %c0_i32_0 = arith.constant 0 : i32
    return %arg0, %c0_i32 : i32, i32
  }
  func.func @transform_1(%arg0: i32) -> (i32, i32) {
    %c0_i32 = arith.constant 0 : i32
    %c0_i32_0 = arith.constant 0 : i32
    return %arg0, %c0_i32 : i32, i32
  }
  func.func @transform_2(%arg0: i32) -> (i32, i32) {
    %c0_i32 = arith.constant 0 : i32
    %c0_i32_0 = arith.constant 0 : i32
    return %arg0, %c0_i32 : i32, i32
  }
  func.func @transform_3(%arg0: i32) -> (i32, i32, i32) {
    %c0_i32 = arith.constant 0 : i32
    %c0_i32_0 = arith.constant 0 : i32
    %c0_i32_1 = arith.constant 0 : i32
    return %c0_i32, %arg0, %c0_i32_0 : i32, i32, i32
  }
  func.func @transform_4(%arg0: i32) -> (i32, i32) {
    %c0_i32 = arith.constant 0 : i32
    %c0_i32_0 = arith.constant 0 : i32
    return %arg0, %c0_i32 : i32, i32
  }
  func.func @transform_5(%arg0: i32) -> (i32, i32) {
    %c0_i32 = arith.constant 0 : i32
    %c0_i32_0 = arith.constant 0 : i32
    %c0_i32_1 = arith.constant 0 : i32
    return %c0_i32, %c0_i32_0 : i32, i32
  }
  func.func @transform_6(%arg0: i32) -> (i32, i32) {
    %c0_i32 = arith.constant 0 : i32
    %c0_i32_0 = arith.constant 0 : i32
    %c0_i32_1 = arith.constant 0 : i32
    return %c0_i32, %c0_i32_0 : i32, i32
  }
  func.func @transform_7(%arg0: i32) -> (i32, i32) {
    %c0_i32 = arith.constant 0 : i32
    %c0_i32_0 = arith.constant 0 : i32
    %c0_i32_1 = arith.constant 0 : i32
    return %c0_i32, %c0_i32_0 : i32, i32
  }
  func.func @transform_8(%arg0: i32) -> (i32, i32) {
    %c0_i32 = arith.constant 0 : i32
    %c0_i32_0 = arith.constant 0 : i32
    %c0_i32_1 = arith.constant 0 : i32
    return %c0_i32, %c0_i32_0 : i32, i32
  }
  func.func @transform_9(%arg0: i32) -> (i32, i32) {
    %c0_i32 = arith.constant 0 : i32
    %c0_i32_0 = arith.constant 0 : i32
    %c0_i32_1 = arith.constant 0 : i32
    return %c0_i32, %c0_i32_0 : i32, i32
  }
  func.func @transform_10(%arg0: i32) -> (i32, i32) {
    %c0_i32 = arith.constant 0 : i32
    %c0_i32_0 = arith.constant 0 : i32
    %c0_i32_1 = arith.constant 0 : i32
    return %c0_i32, %c0_i32_0 : i32, i32
  }
  func.func @transform_11(%arg0: i32) -> (i32, i32) {
    %c0_i32 = arith.constant 0 : i32
    %c0_i32_0 = arith.constant 0 : i32
    %c0_i32_1 = arith.constant 0 : i32
    return %c0_i32, %c0_i32_0 : i32, i32
  }
  func.func @transform_12(%arg0: i32) -> (i32, i32) {
    %c0_i32 = arith.constant 0 : i32
    %c0_i32_0 = arith.constant 0 : i32
    return %arg0, %c0_i32 : i32, i32
  }
  func.func @transform_13(%arg0: i32) -> (i32, i32) {
    %c0_i32 = arith.constant 0 : i32
    %c0_i32_0 = arith.constant 0 : i32
    return %arg0, %c0_i32 : i32, i32
  }
}

</mosaic_0001>

<sc_bundles>
// kernel: kernel.4.cloned.1.call-start
scs
__scs_entry_jumppad:
0x0: {  	(pc) =	sbr.rel $0x88, $3  }
0x1: {  	(tag) =	ssettag $0x0;
	lr =	simm.s32 $0x1  }
0x2: {  	[smem:$0x3F87] =	sst lr;
	_ =	strace $0xD0000000  }
0x3: {  	_ = 	snop  }
0x4: {  	_ = 	snop  }
0x5: {  	_ = 	snop  }
0x6: {  	_ = 	snop  }
0x7: {  	_ = 	snop  }
__scs_overlays_trampoline_lowered:
0x8: {  	[smem:$0x3F96] =	sst s0  }
0x9: {  	[smem:$0x3F97] =	sst s1  }
0xa: {  	[smem:$0x3F98] =	sst s2  }
0xb: {  	[smem:$0x3F99] =	sst s3  }
0xc: {  	[smem:$0x3F9A] =	sst s4  }
0xd: {  	[smem:$0x3F9B] =	sst s5  }
0xe: {  	[smem:$0x3F9C] =	sst s6  }
0xf: {  	[smem:$0x3F9D] =	sst s7  }
0x10: {  	[smem:$0x3F9E] =	sst s8  }
0x11: {  	[smem:$0x3F9F] =	sst s9;
	s0 =	simm.s32 @!p0 $0x0  }
0x12: {  	s1 =	sld [smem:$0x3F85];
	s0 =	simm.s32 @p0 $0x1  }
0x13: {  	[smem:$0x3FA0] =	sst s0;
	s0 =	simm.s32 @!p1 $0x0  }
0x14: {  	s2 =	sld [smem:$0x3F84];
	s0 =	simm.s32 @p1 $0x1  }
0x15: {  	[smem:$0x3FA1] =	sst s0;
	s0 =	simm.s32 @!p2 $0x0  }
0x16: {  	s3 =	sld [smem:$0x3FDB];
	s0 =	simm.s32 @p2 $0x1  }
0x17: {  	s4 =	simm.s32 $0x1BF5;
	[smem:$0x3FA3] =	sst s0  }
0x18: {  	s0 =	sld [smem:$0x3F86];
	_ =	swait.ge [sflag:s4], $0x0  }
0x19: {  	s7 =	sld [smem:$0x3F87]  }
0x1a: {  	s8 =	sadd.s32 $0xFFFFE003, lr  }
0x1b: {  	s9 =	sadd.s32 $0xFFFFFEF7, lr;
	s5 =	simm.s32 $0xFFFFFFFF;
	p2 =	slt.u32 s8, $0xFFFFF086  }
0x1c: {  	p1 =	slt.u32 s9, $0xF7A;
	s5 =	simm.s32 @!p2 $0x0  }
0x1d: {  	s5 =	simm.s32 @p1 $0x1;
	p0 =	seq.s32 s7, s2  }
0x1e: {  	s7 =	smul.u32 @!p0 $0xF7A, s2;
	p2 =	seq.s32 @!p0 s5, $0x0  }
0x1f: {  	s9 =	smul.u32 $0xF7A, s1;
	s8 =	simm.s32 @!p0 $0x1BF5;
	p2 =	por !p2, p0  }
0x20: {  	[sflag:s8] =	ssyncset.s32 @!p0 $0xFFFFF086;
	s6 =	sadd.s32 @!p0 s3, s7;
	s7 =	simm.s32 @!p0 $0x108  }
0x21: {  	s3 =	sadd.s32 s3, s9;
	s6 =	sadd.s32 @!p0 $0x88, s6;
	s7 =	simm.s32 @p2 $0x1082  }
0x22: {  	[simem:s7], [sflag:s8] =	dma.local @!p0 [hbm:s6], $0xF7A  }
0x23: {  	s9 =	sor.u32 $0xD0000000, s2;
	s6 =	simm.s32 $0x108;
	_ =	swait.ge @!p0 [sflag:s8], $0x0  }
0x24: {  	s3 =	sadd.s32 $0x88, s3;
	s6 =	simm.s32 @!p1 $0x1082;
	[sflag:s4] =	ssyncset.s32 $0xFFFFF086  }
0x25: {  	[simem:s6], [sflag:s4] =	dma.local [hbm:s3], $0xF7A  }
0x26: {  	[smem:$0x3F87] =	sst s1;
	(tag) =	ssettag s2;
	_ =	strace s9  }
0x27: {  	s1 =	sld [smem:$0x3F97]  }
0x28: {  	s2 =	sld [smem:$0x3F98]  }
0x29: {  	s4 =	sld [smem:$0x3F9A]  }
0x2a: {  	p0 =	seq.s32 s5, $0x0;
	s5 =	sld [smem:$0x3F9B]  }
0x2b: {  	s6 =	sld [smem:$0x3F9C]  }
0x2c: {  	s7 =	sld [smem:$0x3F9D]  }
0x2d: {  	s3 =	simm.s32 $0x108;
	s8 =	sld [smem:$0x3F9E]  }
0x2e: {  	s3 =	simm.s32 @!p0 $0x1082;
	s9 =	sld [smem:$0x3F9F]  }
0x2f: {  	lr =	sadd.s32 s0, s3;
	s0 =	sld [smem:$0x3F96]  }
0x30: {  	s3 =	sld [smem:$0x3F99]  }
0x31: {  	[smem:$0x3FA2] =	sst s10  }
0x32: {  	s10 =	sld [smem:$0x3FA0];
	_ =	sdelay $0x3  }
0x33: {  	p0 =	seq.s32 s10, $0x1;
	s10 =	sld [smem:$0x3FA2];
	_ =	sdelay $0x3  }
0x34: {  	[smem:$0x3FA2] =	sst s10  }
0x35: {  	s10 =	sld [smem:$0x3FA1];
	_ =	sdelay $0x3  }
0x36: {  	p1 =	seq.s32 s10, $0x1;
	s10 =	sld [smem:$0x3FA2];
	_ =	sdelay $0x3  }
0x37: {  	[smem:$0x3FA2] =	sst s10  }
0x38: {  	s10 =	sld [smem:$0x3FA3]  }
0x39: {  	_ = 	snop;
	(pc) =	sbr.ind lr, $3  }
0x3a: {  	_ = 	snop  }
0x3b: {  	_ = 	snop  }
0x3c: {  	p2 =	seq.s32 s10, $0x1;
	s10 =	sld [smem:$0x3FA2]  }
0x3d: {  	_ =	shalt  }
0x3e: {  	_ =	shalt  }
0x3f: {  	_ =	shalt  }
0x40: {  	_ =	shalt  }
0x41: {  	_ =	shalt  }
0x42: {  	_ =	shalt  }
0x43: {  	_ =	shalt  }
0x44: {  	_ =	shalt  }
0x45: {  	_ =	shalt  }
0x46: {  	_ =	shalt  }
0x47: {  	_ =	shalt  }
0x48: {  	_ =	shalt  }
0x49: {  	_ =	shalt  }
0x4a: {  	_ =	shalt  }
0x4b: {  	_ =	shalt  }
0x4c: {  	_ =	shalt  }
0x4d: {  	_ =	shalt  }
0x4e: {  	_ =	shalt  }
0x4f: {  	_ =	shalt  }
0x50: {  	_ =	shalt  }
0x51: {  	_ =	shalt  }
0x52: {  	_ =	shalt  }
0x53: {  	_ =	shalt  }
0x54: {  	_ =	shalt  }
0x55: {  	_ =	shalt  }
0x56: {  	_ =	shalt  }
0x57: {  	_ =	shalt  }
0x58: {  	_ =	shalt  }
0x59: {  	_ =	shalt  }
0x5a: {  	_ =	shalt  }
0x5b: {  	_ =	shalt  }
0x5c: {  	_ =	shalt  }
0x5d: {  	_ =	shalt  }
0x5e: {  	_ =	shalt  }
0x5f: {  	_ =	shalt  }
0x60: {  	_ =	shalt  }
0x61: {  	_ =	shalt  }
0x62: {  	_ =	shalt  }
0x63: {  	_ =	shalt  }
0x64: {  	_ =	shalt  }
0x65: {  	_ =	shalt  }
0x66: {  	_ =	shalt  }
0x67: {  	_ =	shalt  }
0x68: {  	_ =	shalt  }
0x69: {  	_ =	shalt  }
0x6a: {  	_ =	shalt  }
0x6b: {  	_ =	shalt  }
0x6c: {  	_ =	shalt  }
0x6d: {  	_ =	shalt  }
0x6e: {  	_ =	shalt  }
0x6f: {  	_ =	shalt  }
0x70: {  	_ =	shalt  }
0x71: {  	_ =	shalt  }
0x72: {  	_ =	shalt  }
0x73: {  	_ =	shalt  }
0x74: {  	_ =	shalt  }
0x75: {  	_ =	shalt  }
0x76: {  	_ =	shalt  }
0x77: {  	_ =	shalt  }
0x78: {  	_ =	shalt  }
0x79: {  	_ =	shalt  }
0x7a: {  	_ =	shalt  }
0x7b: {  	_ =	shalt  }
0x7c: {  	_ =	shalt  }
0x7d: {  	_ =	shalt  }
0x7e: {  	_ =	shalt  }
0x7f: {  	_ =	shalt  }
0x80: {  	_ =	shalt  }
0x81: {  	_ =	shalt  }
0x82: {  	_ =	shalt  }
0x83: {  	_ =	shalt  }
0x84: {  	_ =	shalt  }
0x85: {  	_ =	shalt  }
0x86: {  	_ =	shalt  }
0x87: {  	_ =	shalt  }
.Lfunc_end0:
.L_simem_size_0:
called_computation_lowered:
.L_overlay_start_0:
0x88: {  	s2 =	sld [smem:$0x3FD9]  }
0x89: {  	s3 =	sld [smem:$0x3FFE];
	_ =	sdelay $0x1  }
0x8a: {  	s1 =	srdreg.scid  }
0x8b: {  	s0 =	sand.u32 $0x1, s1  }
0x8c: {  	s14 =	sshll.u32 s0, $0xA;
	s2 =	sadd.s32 s3, s2  }
0x8d: {  	s2 =	sadd.s32 s2, s14  }
0x8e: {  	[smem:$0x3FAE] =	sst s2  }
0x8f: {  	_ = 	snop  }
0x90: {  	s2 =	sld [smem:$0x3FD0];
	_ =	sdelay $0x2  }
0x91: {  	s4 =	simm.s32 $0xA;
	s5 =	simm.s32 $0x10;
	s15 =	sld [smem:$0x3FC9]  }
0x92: {  	[smem:s5], [sflag:s4] =	dma.local [hbm:s2], $0x1  }
0x93: {  	_ =	swait.eq [sflag:s4], $0x1  }
0x94: {  	[sflag:s4] =	ssyncset.done $0x0  }
0x95: {  	s16 =	sld [smem:$0x10];
	[sflag:s4] =	ssyncadd.s32 $0xFFFFFFFF  }
0x96: {  	s17 =	sld [smem:$0x11];
	(tm) =	ssettm $0x1  }
0x97: {  	s18 =	sld [smem:$0x3FFB];
	_ =	sdelay $0x3  }
0x98: {  	_ =	strace s18  }
0x99: {  	s5 =	sld [smem:$0x3FFC];
	_ =	sdelay $0x3  }
0x9a: {  	_ =	strace s5  }
0x9b: {  	s5 =	sld [smem:$0x3FFD];
	_ =	sdelay $0x3  }
0x9c: {  	_ =	strace s5  }
0x9d: {  	_ =	strace $0x8FFFFFFF  }
0x9e: {  	s19 =	sld [smem:$0x3FDB];
	_ =	sdelay $0x1  }
0x9f: {  	s6 =	simm.s32 $_scs_section_size  }
0xa0: {  	s7 =	simm.s32 $_size__tile_overlayer_lowered;
	s8 =	simm.s32 $_tile_overlayer_lowered  }
0xa1: {  	s22 =	simm.s32 $0x1BFF;
	s21 =	sshll.u32 s8, $0x1;
	s5 =	sadd.s32 s6, s19  }
0xa2: {  	s9 =	simm.s32 $0x0;
	s20 =	sshll.u32 s7, $0x1;
	s7 =	sadd.s32 s21, s5  }
0xa3: {  	[timem:s9], [sflag:s22] =	dma.local [hbm:s7], s20  }
0xa4: {  	_ =	swait.ge [sflag:s22], s20  }
0xa5: {  	s6 =	ssub.s32 $0x0, s20;
	[sflag:s22] =	ssyncset.done $0x0  }
0xa6: {  	[sflag:s22] =	ssyncadd.s32 s6;
	_ =	sdelay $0x1  }
0xa7: {  	s23 =	simm.s32 $0x1B8B  }
0xa8: {  	_ =	swait.ge [sflag:s23], $0x1  }
0xa9: {  	[sflag:s23] =	ssyncset.done $0x0  }
0xaa: {  	s25 =	simm.s32 $0x1B8E;
	s24 =	sld [smem:$0x3FFE];
	[sflag:s23] =	ssyncadd.s32 $0xFFFFFFFF  }
0xab: {  	s26 =	simm.s32 $execute0_lowered;
	[smem:$0x3FD2] =	sst s25  }
0xac: {  	s7 =	sshll.u32 s26, $0x1;
	_ =	strace $0x80000046;
	[dreg:$0x1] =	wrdreg $0xFFFFFFFF  }
0xad: {  	s28 =	simm.s32 $_size_execute0_lowered;
	s5 =	sadd.s32 s5, s7;
	[dreg:$0x0] =	wrdreg $0x0  }
0xae: {  	s7 =	sshll.u32 s28, $0x1;
	[dreg:$0x2] =	wrdreg s5  }
0xaf: {  	[dreg:$0x3] =	wrdreg s7  }
0xb0: {  	[dreg:$0x4] =	wrdreg $0xC0  }
0xb1: {  	_ =	task [dreg:s9], $0x5FFFF  }
0xb2: {  	[dreg:$0x1] =	wrdreg $0xFFFFFFFF  }
0xb3: {  	[dreg:$0x0] =	wrdreg $0x60  }
0xb4: {  	[dreg:$0x2] =	wrdreg s15  }
0xb5: {  	[dreg:$0x3] =	wrdreg s17  }
0xb6: {  	[dreg:$0x4] =	wrdreg s24  }
0xb7: {  	[dreg:$0x5] =	wrdreg s16  }
0xb8: {  	[dreg:$0x6] =	wrdreg $0xC6800  }
0xb9: {  	[dreg:$0x7] =	wrdreg $0x9  }
0xba: {  	_ =	task.clear_ibuf [dreg:s9], $0x8FFFF;
	_ =	strace $0x90000046  }
0xbb: {  	s29 =	simm.s32 $0x9;
	_ =	strace $0x80000048  }
0xbc: {  	_ =	swait.ge [sflag:s29], $0x1  }
0xbd: {  	[sflag:s29] =	ssyncadd.s32 $0xFFFFFFFF  }
0xbe: {  	_ =	strace $0x90000048  }
0xbf: {  	_ =	sfence  }
0xc0: {  	s30 =	sld [smem:$0x0];
	_ =	sdelay $0x2  }
0xc1: {  	s31 =	sshll.u32 s1, $0xD;
	s1 =	sshrl.u32 s1, $0x2  }
0xc2: {  	s3 =	sand.u32 $0x4000, s31;
	s1 =	sadd.s32 s1, s30  }
0xc3: {  	s0 =	sor.u32 s3, s0;
	s1 =	sshll.u32 s1, $0x11  }
0xc4: {  	s0 =	sor.u32 s1, s0  }
0xc5: {  	s0 =	sadd.s32 $0x8F2B, s0  }
0xc6: {  	[sflag:s0] =	ssyncadd.remote.s32 $0x1  }
0xc7: {  	_ =	sfence.sel $0xFFFF  }
0xc8: {  	[dreg:$0x0] =	wrdreg $0xFFFFFFFF;
	(pc) =	sbr.abs _section_cstart, $3  }
0xc9: {  	[dreg:$0x1] =	wrdreg $0xFFFFFFFF  }
0xca: {  	_ =	task.clear_ibuf [dreg:s9], $0x2FFFF;
	_ =	strace $0x9FFFFFFF  }
0xcb: {  	(tm) =	ssettm $0x7FFFFFFF  }
tec
execute0_lowered:
.L_overlay_start_1:
0x0: {  	(tag) =	ssettag $0x1  }
0x1: {  	s0 =	rddreg [dreg:$0x0]  }
0x2: {  	s1 =	rddreg [dreg:$0x1]  }
0x3: {  	s4 =	rddreg [dreg:$0x2]  }
0x4: {  	s7 =	rddreg [dreg:$0x3]  }
0x5: {  	s2 =	srdreg.scid;
	s3 =	rddreg [dreg:$0x4];
	s10 =	simm.s32 $0x0  }
0x6: {  	s11 =	simm.s32 $0x80;
	s12 =	simm.s32 $0x400;
	s13 =	simm.s32 $0x6  }
0x7: {  	s15 =	simm.s32 $0x28;
	s16 =	simm.s32 $0x4F00;
	s17 =	simm.s32 $0x6300  }
0x8: {  	s19 =	simm.s32 $0x7700;
	s20 =	simm.s32 $0x9F00;
	s21 =	simm.s32 $0x1  }
0x9: {  	s22 =	simm.s32 $0x5;
	s5 =	sand.u32 $0x1, s2;
	s2 =	stileid.u32  }
0xa: {  	s30 =	simm.s32 $0x0;
	[smem:$0x7FF] =	sst s10;
	s8 =	smul.u32 $0x138800, s5  }
0xb: {  	s6 =	sshll.u32 s5, $0x4;
	s9 =	smul.u32 $0x1400, s2;
	s23 =	sshll.u32 s2, $0x7  }
0xc: {  	_ =	strace $0x80000047;
	s5 =	ssub.s32 $0x2, s5;
	s29 =	smul.u32 $0x5000, s2  }
0xd: {  	s6 =	sor.u32 s2, s6;
	s24 =	sand.u32 $0x380, s23;
	s25 =	sshrl.u32 s5, $0x1  }
0xe: {  	s23 =	simm.s32 $0x8B00;
	s6 =	sshrl.u32 s6, $0x3;
	s8 =	sadd.s32 s9, s8  }
0xf: {  	s31 =	sshrl.u32 s29, $0x2;
	s6 =	smul.u32 $0x13C00, s6;
	s8 =	sshrl.u32 s8, $0x3  }
0x10: {  	s4 =	sadd.s32 s8, s4;
	s8 =	ssub.s32 s5, s25;
	s25 =	simm.s32 $0x3  }
0x11: {  	s6 =	sor.u32 s24, s6;
	s8 =	smax.u32 s8, $0x1;
	s10 =	sadd.s32 $0x5A00, s4  }
0x12: {  	s24 =	simm.s32 $0x2;
	s9 =	sadd.s32 $0x4F000, s6;
	s26 =	sshrl.u32 s6, $0x3  }
0x13: {  	s28 =	sshrl.u32 s9, $0x3;
	s5 =	sadd.s32 s1, s26;
	s7 =	sadd.s32 s7, s26  }
0x14: {  	v0 =	vimm.f32 $0.0e+00;
	s9 =	sadd.s32 s31, s3;
	s26 =	simm.s32 $0x4;
	s6 =	sadd.s32 s1, s28  }
.LBB2_1:
0x15: {  	s1 =	simm.s32 $0x0  }
0x16: {  	[tilespmem:s1], [sflag:$0x6] =	stream.strided.gather [hbm4b:s5+s11], $0x2780, s12, s11, $0x38;
	[tilespmem:$0x1FF00] =	vst v63  }
0x17: {  	_ =	swait.ge [sflag:s13], $0x2780  }
0x18: {  	[sflag:s13] =	ssyncset.done $0x0  }
0x19: {  	s31 =	simm.s32 $0x2780;
	[sflag:s13] =	ssyncadd.s32 $0xFFFFD880  }
0x1a: {  	[tilespmem:s31], [sflag:$0x6] =	stream.strided.gather [hbm4b:s6+s11], $0x2780, s12, s11, $0x38;
	[tilespmem:$0x1FF00] =	vst v63  }
0x1b: {  	_ =	swait.ge [sflag:s13], $0x2780  }
0x1c: {  	[sflag:s13] =	ssyncset.done $0x0  }
0x1d: {  	s4 =	simm.s32 $0x0;
	s1 =	simm.s32 $0x40;
	[sflag:s13] =	ssyncadd.s32 $0xFFFFD880  }
.LBB2_2:
0x1e: {  	p0 =	sne.s32 s1, $0x9C00;
	[tilespmem:s4+$0x9F00] =	vst v0;
	s4 =	smov.u32 s1;
	s1 =	sadd.s32 $0x40, s1  }
.Ltmp0:
0x1f: {  	(pc) =	sbr.rel @p0 .LBB2_2-.Ltmp0, $2  }
0x20: {  	_ =	sdelay $0x2  }
0x21: {  	s4 =	sshra.s32 s4, $0x2  }
0x22: {  	[tilespmem:s4+$0x9F00] =	vst v0;
	s1 =	simm.s32 $0x0;
	s4 =	simm.s32 $0x200  }
.LBB2_4:
0x23: {  	p0 =	sne.s32 s4, $0x4E00;
	[tilespmem:s1+$0x4F70] =	vst v0  }
0x24: {  	[tilespmem:s1+$0x4F00] =	vst v0  }
0x25: {  	[tilespmem:s1+$0x4F10] =	vst v0  }
.Ltmp1:
0x26: {  	[tilespmem:s1+$0x4F20] =	vst v0;
	(pc) =	sbr.rel @p0 .LBB2_4-.Ltmp1, $4  }
0x27: {  	[tilespmem:s1+$0x4F30] =	vst v0  }
0x28: {  	[tilespmem:s1+$0x4F40] =	vst v0  }
0x29: {  	[tilespmem:s1+$0x4F50] =	vst v0  }
0x2a: {  	[tilespmem:s1+$0x4F60] =	vst v0;
	s1 =	sshra.s32 s4, $0x2;
	s4 =	sadd.s32 $0x200, s4  }
0x2b: {  	[tilespmem:s1+$0x4F70] =	vst v0  }
0x2c: {  	[tilespmem:s1+$0x4F00] =	vst v0  }
0x2d: {  	[tilespmem:s1+$0x4F10] =	vst v0  }
0x2e: {  	[tilespmem:s1+$0x4F20] =	vst v0  }
0x2f: {  	[tilespmem:s1+$0x4F30] =	vst v0  }
0x30: {  	[tilespmem:s1+$0x4F40] =	vst v0;
	s4 =	sadd.s32 $0x0, s2  }
0x31: {  	[tilespmem:s1+$0x4F50] =	vst v0;
	p0 =	sgt.u32 s4, $0xF9  }
0x32: {  	[tilespmem:s1+$0x4F60] =	vst v0;
	s1 =	simm.s32 @!p0 $0x4F00;
	s31 =	simm.s32 @!p0 $0x6  }
0x33: {  	[spmem:s9] =	stream.linear.scatter @!p0 [tilespmem:s1], [sflag:$0x6], $0x1400, $0x38;
	[tilespmem:$0x1FF00] =	vst v63  }
0x34: {  	s14 =	simm.s32 $0x20;
	_ =	swait.ge @!p0 [sflag:s31], $0x1400  }
0x35: {  	s4 =	simm.s32 $0x10;
	s1 =	sadd.s32 $0x14000, s9;
	[sflag:s31] =	ssyncset.done @!p0 $0x0  }
.LBB2_6:
0x36: {  	s18 =	sadd.s32 s4, s2;
	s4 =	smov.u32 s14;
	s14 =	sadd.s32 $0x10, s14  }
0x37: {  	[sflag:s31] =	ssyncadd.s32 @!p0 $0xFFFFEC00;
	p1 =	sne.s32 s14, $0x100  }
.Ltmp2:
0x38: {  	p0 =	sgt.u32 s18, $0xF9;
	(pc) =	sbr.rel @p1 .LBB2_6-.Ltmp2, $4  }
0x39: {  	s18 =	simm.s32 @!p0 $0x4F00;
	s31 =	simm.s32 @!p0 $0x6  }
0x3a: {  	[spmem:s1] =	stream.linear.scatter @!p0 [tilespmem:s18], [sflag:$0x6], $0x1400, $0x38;
	[tilespmem:$0x1FF00] =	vst v63  }
0x3b: {  	_ =	swait.ge @!p0 [sflag:s31], $0x1400  }
0x3c: {  	s1 =	sadd.s32 $0x14000, s1;
	[sflag:s31] =	ssyncset.done @!p0 $0x0  }
0x3d: {  	s4 =	sadd.s32 s4, s2  }
0x3e: {  	p1 =	sgt.u32 s4, $0xF9  }
0x3f: {  	[sflag:s31] =	ssyncadd.s32 @!p0 $0xFFFFEC00;
	s4 =	simm.s32 @!p1 $0x4F00;
	s14 =	simm.s32 @!p1 $0x6  }
0x40: {  	[spmem:s1] =	stream.linear.scatter @!p1 [tilespmem:s4], [sflag:$0x6], $0x1400, $0x38;
	[tilespmem:$0x1FF00] =	vst v63  }
0x41: {  	_ =	swait.ge @!p1 [sflag:s14], $0x1400  }
0x42: {  	[sflag:s14] =	ssyncset.done @!p1 $0x0  }
0x43: {  	[sflag:s14] =	ssyncadd.s32 @!p1 $0xFFFFEC00  }
0x44: {  	s31 =	simm.s32 $0x0;
	[bflag:$0x0] =	sbarrier.arrive $0xFFFF  }
0x45: {  	[tilespmem:s16], [sflag:$0x1] =	stream.indirect.gather [hbm4b:s0+s15], $0x80, s31, s15, $0xb8;
	[tilespmem:$0x1FF00] =	vst v63  }
0x46: {  	_ = 	snop  }
0x47: {  	[tilespmem:s17], [sflag:$0x2] =	stream.indirect.gather [hbm4b:s0+s15], $0x80, s15, s15, $0xb8;
	[tilespmem:$0x1FF00] =	vst v63  }
0x48: {  	s29 =	simm.s32 $0x50;
	s1 =	simm.s32 $0x0  }
0x49: {  	[tilespmem:s19], [sflag:$0x3] =	stream.indirect.gather [hbm4b:s0+s15], $0x80, s29, s15, $0xb8;
	[tilespmem:$0x1FF00] =	vst v63  }
.LBB2_8:
0x4a: {  	s4 =	sshra.s32 s1, $0x2  }
0x4b: {  	v1 =	vld [tilespmem:s4+$0x2780];
	_ =	sdelay $0x4  }
0x4c: {  	(xrf1) =	vunique.msk.u32 $0xffff, v1;
	_ =	sdelay $0xc  }
0x4d: {  	v2 =	vld.idx.msk [tilespmem:v1+s20+$0x0], $0xffff  }
0x4e: {  	_, v3, vm0 =	vpop (xrf1);
	_ =	sdelay $0x1  }
0x4f: {  	v3 =	vcvt.s32.f32 v3;
	_ =	sdelay $0x1  }
0x50: {  	v2 =	vadd.f32 v3, v2;
	_ =	sdelay $0x1  }
0x51: {  	[tilespmem:v1+s20+$0x0] =	vst.idx.msk vm0, v2  }
0x52: {  	v1 =	vld [tilespmem:s4+$0x2790];
	_ =	sdelay $0x4  }
0x53: {  	(xrf1) =	vunique.msk.u32 $0xffff, v1;
	_ =	sdelay $0xc  }
0x54: {  	v2 =	vld.idx.msk [tilespmem:v1+s20+$0x0], $0xffff  }
0x55: {  	_, v3, vm7 =	vpop (xrf1);
	_ =	sdelay $0x1  }
0x56: {  	v3 =	vcvt.s32.f32 v3;
	_ =	sdelay $0x1  }
0x57: {  	v2 =	vadd.f32 v3, v2;
	_ =	sdelay $0x1  }
0x58: {  	[tilespmem:v1+s20+$0x0] =	vst.idx.msk vm7, v2  }
0x59: {  	v1 =	vld [tilespmem:s4+$0x27A0];
	_ =	sdelay $0x4  }
0x5a: {  	(xrf1) =	vunique.msk.u32 $0xffff, v1;
	_ =	sdelay $0xc  }
0x5b: {  	v2 =	vld.idx.msk [tilespmem:v1+s20+$0x0], $0xffff  }
0x5c: {  	_, v3, vm8 =	vpop (xrf1);
	_ =	sdelay $0x1  }
0x5d: {  	v3 =	vcvt.s32.f32 v3;
	_ =	sdelay $0x1  }
0x5e: {  	v2 =	vadd.f32 v3, v2;
	_ =	sdelay $0x1  }
0x5f: {  	[tilespmem:v1+s20+$0x0] =	vst.idx.msk vm8, v2  }
0x60: {  	_ =	swait.ge [sflag:s21], $0x1400  }
0x61: {  	[sflag:s21] =	ssyncset.done $0x0  }
0x62: {  	s14 =	sadd.s32 $0x2780, s4;
	[sflag:s21] =	ssyncadd.s32 $0xFFFFEC00  }
0x63: {  	[spmem:s3] =	stream.indirect.scatter.add.f32 [tilespmem:s16], [sflag:$0x5], $0x80, s14, s15, $0xb8;
	[tilespmem:$0x1FF00] =	vst v63  }
0x64: {  	_ =	swait.ge [sflag:s22], $0x1400  }
0x65: {  	[sflag:s22] =	ssyncset.done $0x0  }
0x66: {  	s29 =	sadd.s32 $0x78, s4;
	[sflag:s22] =	ssyncadd.s32 $0xFFFFEC00  }
0x67: {  	[tilespmem:s23], [sflag:$0x4] =	stream.indirect.gather [hbm4b:s0+s15], $0x80, s29, s15, $0xb8;
	[tilespmem:$0x1FF00] =	vst v63  }
0x68: {  	v1 =	vld [tilespmem:s4+$0x27B0];
	_ =	sdelay $0x4  }
0x69: {  	(xrf1) =	vunique.msk.u32 $0xffff, v1;
	_ =	sdelay $0xc  }
0x6a: {  	v2 =	vld.idx.msk [tilespmem:v1+s20+$0x0], $0xffff  }
0x6b: {  	_, v3, vm9 =	vpop (xrf1);
	_ =	sdelay $0x1  }
0x6c: {  	v3 =	vcvt.s32.f32 v3;
	_ =	sdelay $0x1  }
0x6d: {  	v2 =	vadd.f32 v3, v2;
	_ =	sdelay $0x1  }
0x6e: {  	[tilespmem:v1+s20+$0x0] =	vst.idx.msk vm9, v2  }
0x6f: {  	v1 =	vld [tilespmem:s4+$0x27C0];
	_ =	sdelay $0x4  }
0x70: {  	(xrf1) =	vunique.msk.u32 $0xffff, v1;
	_ =	sdelay $0xc  }
0x71: {  	v2 =	vld.idx.msk [tilespmem:v1+s20+$0x0], $0xffff  }
0x72: {  	_, v3, vm10 =	vpop (xrf1);
	_ =	sdelay $0x1  }
0x73: {  	v3 =	vcvt.s32.f32 v3;
	_ =	sdelay $0x1  }
0x74: {  	v2 =	vadd.f32 v3, v2;
	_ =	sdelay $0x1  }
0x75: {  	[tilespmem:v1+s20+$0x0] =	vst.idx.msk vm10, v2  }
0x76: {  	v1 =	vld [tilespmem:s4+$0x27D0];
	_ =	sdelay $0x4  }
0x77: {  	(xrf1) =	vunique.msk.u32 $0xffff, v1;
	_ =	sdelay $0xc  }
0x78: {  	v2 =	vld.idx.msk [tilespmem:v1+s20+$0x0], $0xffff  }
0x79: {  	_, v3, vm11 =	vpop (xrf1);
	_ =	sdelay $0x1  }
0x7a: {  	v3 =	vcvt.s32.f32 v3;
	_ =	sdelay $0x1  }
0x7b: {  	v2 =	vadd.f32 v3, v2;
	_ =	sdelay $0x1  }
0x7c: {  	[tilespmem:v1+s20+$0x0] =	vst.idx.msk vm11, v2  }
0x7d: {  	_ =	swait.ge [sflag:s24], $0x1400  }
0x7e: {  	[sflag:s24] =	ssyncset.done $0x0  }
0x7f: {  	s18 =	sadd.s32 $0x27A8, s4;
	[sflag:s24] =	ssyncadd.s32 $0xFFFFEC00  }
0x80: {  	[spmem:s3] =	stream.indirect.scatter.add.f32 [tilespmem:s17], [sflag:$0x5], $0x80, s18, s15, $0xb8;
	[tilespmem:$0x1FF00] =	vst v63  }
0x81: {  	_ =	swait.ge [sflag:s22], $0x1400  }
0x82: {  	[sflag:s22] =	ssyncset.done $0x0  }
0x83: {  	s28 =	sadd.s32 $0xA0, s4;
	[sflag:s22] =	ssyncadd.s32 $0xFFFFEC00  }
0x84: {  	[tilespmem:s16], [sflag:$0x1] =	stream.indirect.gather [hbm4b:s0+s15], $0x80, s28, s15, $0xb8;
	[tilespmem:$0x1FF00] =	vst v63  }
0x85: {  	v1 =	vld [tilespmem:s4+$0x27E0];
	_ =	sdelay $0x4  }
0x86: {  	(xrf1) =	vunique.msk.u32 $0xffff, v1;
	_ =	sdelay $0xc  }
0x87: {  	v2 =	vld.idx.msk [tilespmem:v1+s20+$0x0], $0xffff  }
0x88: {  	_, v3, vm12 =	vpop (xrf1);
	_ =	sdelay $0x1  }
0x89: {  	v3 =	vcvt.s32.f32 v3;
	_ =	sdelay $0x1  }
0x8a: {  	v2 =	vadd.f32 v3, v2;
	_ =	sdelay $0x1  }
0x8b: {  	[tilespmem:v1+s20+$0x0] =	vst.idx.msk vm12, v2  }
0x8c: {  	v1 =	vld [tilespmem:s4+$0x27F0];
	_ =	sdelay $0x4  }
0x8d: {  	(xrf1) =	vunique.msk.u32 $0xffff, v1;
	_ =	sdelay $0xc  }
0x8e: {  	v2 =	vld.idx.msk [tilespmem:v1+s20+$0x0], $0xffff  }
0x8f: {  	_, v3, vm13 =	vpop (xrf1);
	_ =	sdelay $0x1  }
0x90: {  	v3 =	vcvt.s32.f32 v3;
	_ =	sdelay $0x1  }
0x91: {  	v2 =	vadd.f32 v3, v2;
	_ =	sdelay $0x1  }
0x92: {  	[tilespmem:v1+s20+$0x0] =	vst.idx.msk vm13, v2  }
0x93: {  	_ =	swait.ge [sflag:s25], $0x1400  }
0x94: {  	[sflag:s25] =	ssyncset.done $0x0  }
0x95: {  	s29 =	sadd.s32 $0x27D0, s4;
	[sflag:s25] =	ssyncadd.s32 $0xFFFFEC00  }
0x96: {  	[spmem:s3] =	stream.indirect.scatter.add.f32 [tilespmem:s19], [sflag:$0x5], $0x80, s29, s15, $0xb8;
	[tilespmem:$0x1FF00] =	vst v63  }
0x97: {  	_ =	swait.ge [sflag:s22], $0x1400  }
0x98: {  	[sflag:s22] =	ssyncset.done $0x0  }
0x99: {  	s18 =	sadd.s32 $0xC8, s4;
	s28 =	sand.u32 $0x3FE0, s31;
	[sflag:s22] =	ssyncadd.s32 $0xFFFFEC00  }
0x9a: {  	[tilespmem:s17], [sflag:$0x2] =	stream.indirect.gather [hbm4b:s0+s15], $0x80, s18, s15, $0xb8;
	[tilespmem:$0x1FF00] =	vst v63  }
0x9b: {  	v1 =	vld [tilespmem:s28+$0x2800];
	_ =	sdelay $0x4  }
0x9c: {  	(xrf1) =	vunique.msk.u32 $0xffff, v1;
	_ =	sdelay $0xc  }
0x9d: {  	v2 =	vld.idx.msk [tilespmem:v1+s20+$0x0], $0xffff  }
0x9e: {  	_, v3, vm14 =	vpop (xrf1);
	_ =	sdelay $0x1  }
0x9f: {  	v3 =	vcvt.s32.f32 v3;
	_ =	sdelay $0x1  }
0xa0: {  	v2 =	vadd.f32 v3, v2;
	_ =	sdelay $0x1  }
0xa1: {  	[tilespmem:v1+s20+$0x0] =	vst.idx.msk vm14, v2  }
0xa2: {  	v1 =	vld [tilespmem:s4+$0x2810];
	_ =	sdelay $0x4  }
0xa3: {  	(xrf1) =	vunique.msk.u32 $0xffff, v1;
	_ =	sdelay $0xc  }
0xa4: {  	v2 =	vld.idx.msk [tilespmem:v1+s20+$0x0], $0xffff  }
0xa5: {  	_, v3, vm15 =	vpop (xrf1);
	_ =	sdelay $0x1  }
0xa6: {  	v3 =	vcvt.s32.f32 v3;
	_ =	sdelay $0x1  }
0xa7: {  	v2 =	vadd.f32 v3, v2;
	_ =	sdelay $0x1  }
0xa8: {  	[tilespmem:v1+s20+$0x0] =	vst.idx.msk vm15, v2  }
0xa9: {  	_ =	swait.ge [sflag:s26], $0x1400  }
0xaa: {  	p0 =	seq.s32 s1, $0x9880;
	[sflag:s26] =	ssyncset.done $0x0  }
.Ltmp3:
0xab: {  	s29 =	sadd.s32 $0x27F8, s4;
	[sflag:s26] =	ssyncadd.s32 $0xFFFFEC00;
	(pc) =	sbr.rel @p0 .LBB2_10-.Ltmp3, $4  }
0xac: {  	[spmem:s3] =	stream.indirect.scatter.add.f32 [tilespmem:s23], [sflag:$0x5], $0x80, s29, s15, $0xb8;
	[tilespmem:$0x1FF00] =	vst v63  }
0xad: {  	_ =	swait.ge [sflag:s22], $0x1400  }
0xae: {  	[sflag:s22] =	ssyncset.done $0x0  }
0xaf: {  	[sflag:s22] =	ssyncadd.s32 $0xFFFFEC00  }
.Ltmp4:
0xb0: {  	(pc) =	sbr.rel .LBB2_8-.Ltmp4, $3  }
0xb1: {  	_ =	sdelay $0x1  }
0xb2: {  	s4 =	sadd.s32 $0xF0, s4;
	s1 =	sadd.s32 $0x280, s1;
	s31 =	sadd.s32 $0xA0, s31  }
0xb3: {  	[tilespmem:s19], [sflag:$0x3] =	stream.indirect.gather [hbm4b:s0+s15], $0x80, s4, s15, $0xb8;
	[tilespmem:$0x1FF00] =	vst v63  }
.LBB2_10:
0xb4: {  	v1 =	vld [tilespmem:$0x4E40];
	_ =	sdelay $0x4  }
0xb5: {  	(xrf1) =	vunique.msk.u32 $0xffff, v1;
	_ =	sdelay $0xc  }
0xb6: {  	v2 =	vld.idx.msk [tilespmem:v1+s20+$0x0], $0xffff  }
0xb7: {  	_, v3, vm0 =	vpop (xrf1);
	_ =	sdelay $0x1  }
0xb8: {  	v3 =	vcvt.s32.f32 v3;
	_ =	sdelay $0x1  }
0xb9: {  	v2 =	vadd.f32 v3, v2;
	_ =	sdelay $0x1  }
0xba: {  	[tilespmem:v1+s20+$0x0] =	vst.idx.msk vm0, v2  }
0xbb: {  	v1 =	vld [tilespmem:$0x4E50];
	_ =	sdelay $0x4  }
0xbc: {  	(xrf1) =	vunique.msk.u32 $0xffff, v1;
	_ =	sdelay $0xc  }
0xbd: {  	v2 =	vld.idx.msk [tilespmem:v1+s20+$0x0], $0xffff  }
0xbe: {  	_, v3, vm12 =	vpop (xrf1);
	_ =	sdelay $0x1  }
0xbf: {  	v3 =	vcvt.s32.f32 v3;
	_ =	sdelay $0x1  }
0xc0: {  	v2 =	vadd.f32 v3, v2;
	_ =	sdelay $0x1  }
0xc1: {  	[tilespmem:v1+s20+$0x0] =	vst.idx.msk vm12, v2  }
0xc2: {  	v1 =	vld [tilespmem:$0x4E60];
	_ =	sdelay $0x4  }
0xc3: {  	(xrf1) =	vunique.msk.u32 $0xffff, v1;
	_ =	sdelay $0xc  }
0xc4: {  	v2 =	vld.idx.msk [tilespmem:v1+s20+$0x0], $0xffff  }
0xc5: {  	_, v3, vm13 =	vpop (xrf1);
	_ =	sdelay $0x1  }
0xc6: {  	v3 =	vcvt.s32.f32 v3;
	_ =	sdelay $0x1  }
0xc7: {  	v2 =	vadd.f32 v3, v2;
	_ =	sdelay $0x1  }
0xc8: {  	[tilespmem:v1+s20+$0x0] =	vst.idx.msk vm13, v2  }
0xc9: {  	v1 =	vld [tilespmem:$0x4E70];
	_ =	sdelay $0x4  }
0xca: {  	(xrf1) =	vunique.msk.u32 $0xffff, v1;
	_ =	sdelay $0xc  }
0xcb: {  	v2 =	vld.idx.msk [tilespmem:v1+s20+$0x0], $0xffff  }
0xcc: {  	_, v3, vm14 =	vpop (xrf1);
	_ =	sdelay $0x1  }
0xcd: {  	v3 =	vcvt.s32.f32 v3;
	_ =	sdelay $0x1  }
0xce: {  	v2 =	vadd.f32 v3, v2;
	_ =	sdelay $0x1  }
0xcf: {  	[tilespmem:v1+s20+$0x0] =	vst.idx.msk vm14, v2  }
0xd0: {  	v1 =	vld [tilespmem:$0x4E80];
	_ =	sdelay $0x4  }
0xd1: {  	(xrf1) =	vunique.msk.u32 $0xffff, v1;
	_ =	sdelay $0xc  }
0xd2: {  	v2 =	vld.idx.msk [tilespmem:v1+s20+$0x0], $0xffff  }
0xd3: {  	_, v3, vm15 =	vpop (xrf1);
	_ =	sdelay $0x1  }
0xd4: {  	v3 =	vcvt.s32.f32 v3;
	_ =	sdelay $0x1  }
0xd5: {  	v2 =	vadd.f32 v3, v2;
	_ =	sdelay $0x1  }
0xd6: {  	[tilespmem:v1+s20+$0x0] =	vst.idx.msk vm15, v2  }
0xd7: {  	_ =	swait.ge [sflag:s21], $0x1400  }
0xd8: {  	[sflag:s21] =	ssyncset.done $0x0  }
0xd9: {  	s1 =	simm.s32 $0x4E40;
	[sflag:s21] =	ssyncadd.s32 $0xFFFFEC00  }
0xda: {  	[spmem:s3] =	stream.indirect.scatter.add.f32 [tilespmem:s16], [sflag:$0x5], $0x80, s1, s15, $0xb8;
	[tilespmem:$0x1FF00] =	vst v63  }
0xdb: {  	_ =	swait.ge [sflag:s22], $0x1400  }
0xdc: {  	[sflag:s22] =	ssyncset.done $0x0  }
0xdd: {  	[sflag:s22] =	ssyncadd.s32 $0xFFFFEC00  }
0xde: {  	_ =	swait.ge [sflag:s24], $0x1400  }
0xdf: {  	[sflag:s24] =	ssyncset.done $0x0  }
0xe0: {  	s28 =	simm.s32 $0x4E68;
	[sflag:s24] =	ssyncadd.s32 $0xFFFFEC00  }
0xe1: {  	[spmem:s3] =	stream.indirect.scatter.add.f32 [tilespmem:s17], [sflag:$0x5], $0x80, s28, s15, $0xb8;
	[tilespmem:$0x1FF00] =	vst v63  }
0xe2: {  	_ =	swait.ge [sflag:s22], $0x1400  }
0xe3: {  	[sflag:s22] =	ssyncset.done $0x0  }
0xe4: {  	[sflag:s22] =	ssyncadd.s32 $0xFFFFEC00  }
0xe5: {  	s29 =	sadd.s32 $0x0, s2;
	[bflag:$0x0] =	sbarrier.arrive $0xFFFF  }
0xe6: {  	[hbm4b:s7+s11] =	stream.strided.scatter [tilespmem:s20], [sflag:$0x6], $0x2780, s12, s11, $0x38;
	[tilespmem:$0x1FF00] =	vst v63  }
0xe7: {  	p0 =	sgt.u32 s29, $0xF9;
	_ =	swait.ge [sflag:s13], $0x2780  }
0xe8: {  	s4 =	sshrl.u32 @!p0 s9, $0x3;
	s1 =	sshll.u32 @!p0 s2, $0x6;
	[sflag:s13] =	ssyncset.done $0x0  }
0xe9: {  	s14 =	simm.s32 @!p0 $0x6;
	s1 =	sor.u32 @!p0 $0x1C06, s1;
	[sflag:s13] =	ssyncadd.s32 $0xFFFFD880  }
0xea: {  	[hbm:s10], [sflag:s1] =	dma.local @!p0 [spmem:s4], $0x280  }
0xeb: {  	s31 =	simm.s32 $0x20;
	s18 =	sadd.s32 $0x10, s2;
	_ =	swait.ge @!p0 [sflag:s14], $0x280  }
0xec: {  	s1 =	sadd.s32 $0x14000, s9;
	s4 =	sadd.s32 $0x2800, s10;
	[sflag:s14] =	ssyncset.done @!p0 $0x0  }
.LBB2_11:
0xed: {  	[sflag:s14] =	ssyncadd.s32 @!p0 $0xFFFFFD80  }
0xee: {  	p0 =	sgt.u32 s18, $0xF9;
	s18 =	smov.u32 s31;
	s31 =	sadd.s32 $0x10, s31  }
0xef: {  	p1 =	sne.s32 s31, $0x100  }
.Ltmp5:
0xf0: {  	s14 =	sshll.u32 @!p0 s2, $0x6;
	s28 =	sshrl.u32 @!p0 s1, $0x3;
	(pc) =	sbr.rel @p1 .LBB2_11-.Ltmp5, $4  }
0xf1: {  	s29 =	sor.u32 @!p0 $0x1C06, s14;
	s14 =	simm.s32 @!p0 $0x6  }
0xf2: {  	[hbm:s4], [sflag:s29] =	dma.local @!p0 [spmem:s28], $0x280  }
0xf3: {  	s1 =	sadd.s32 $0x14000, s1;
	_ =	swait.ge @!p0 [sflag:s14], $0x280  }
0xf4: {  	s18 =	sadd.s32 s18, s2;
	s4 =	sadd.s32 $0x2800, s4;
	[sflag:s14] =	ssyncset.done @!p0 $0x0  }
0xf5: {  	p1 =	sgt.u32 s18, $0xF9;
	[sflag:s14] =	ssyncadd.s32 @!p0 $0xFFFFFD80;
	s30 =	sadd.s32 $0x1, s30  }
0xf6: {  	s14 =	sshll.u32 @!p1 s2, $0x6;
	s1 =	sshrl.u32 @!p1 s1, $0x3;
	p0 =	sne.s32 s30, s8  }
.Ltmp6:
0xf7: {  	s18 =	simm.s32 @!p1 $0x6;
	s14 =	sor.u32 @!p1 $0x1C06, s14;
	(pc) =	sbr.rel @p0 .LBB2_1-.Ltmp6, $4  }
0xf8: {  	[hbm:s4], [sflag:s14] =	dma.local @!p1 [spmem:s1], $0x280  }
0xf9: {  	_ =	swait.ge @!p1 [sflag:s18], $0x280  }
0xfa: {  	[sflag:s18] =	ssyncset.done @!p1 $0x0  }
0xfb: {  	[sflag:s18] =	ssyncadd.s32 @!p1 $0xFFFFFD80  }
0xfc: {  	_ =	sfence.sel $0x180000  }
0xfd: {  	[bflag:$0x0] =	sbarrier.arrive $0xFFFF  }
0xfe: {  	_ =	strace $0x90000047  }
0xff: {  	[bflag:$0x2] =	sbarrier.arrive $0xFFFF  }
0x100: {  	p0 =	sne.s32 s2, $0x0;
	s0 =	rddreg [dreg:$0x5]  }
0x101: {  	s0 =	sadd.s32 @!p0 $0x100000, s0  }
0x102: {  	[sflag:s0] =	ssyncadd.tile.s32 @!p0 $0x1;
	_ =	shalt  }
.Lfunc_end2:
_tile_overlayer_lowered:
.L_overlay_start_2:
0x103: {  	(tag) =	ssettag $0x2  }
0x104: {  	s0 =	rddreg [dreg:$0x0];
	s2 =	stileid.u32  }
0x105: {  	s1 =	rddreg [dreg:$0x1];
	p0 =	sne.s32 s2, $0x0  }
0x106: {  	s3 =	rddreg [dreg:$0x2];
	[bflag:$0x3] =	sbarrier.arrive $0xFFFF;
	s2 =	simm.s32 @!p0 $0x1C06  }
0x107: {  	[timem:s3], [sflag:s2] =	dma.local @!p0 [hbm:s0], s1  }
0x108: {  	s0 =	simm.s32 @!p0 $0x6  }
0x109: {  	_ =	swait.ge @!p0 [sflag:s0], s1  }
0x10a: {  	s1 =	ssub.s32 @!p0 $0x0, s1;
	[sflag:s0] =	ssyncset.done @!p0 $0x0  }
0x10b: {  	[sflag:s0] =	ssyncadd.s32 @!p0 s1  }
0x10c: {  	[bflag:$0x3] =	sbarrier.arrive $0xFFFF  }
0x10d: {  	_ =	shalt  }

</sc_bundles>
